<compile_context>
chip_gen: v7x
topology: tpu7x:2x2x1
jax: 0.10.2.dev20260603
libtpu: 0.0.44.dev20260713+nightly
codegen_flags: <defaults>
</compile_context>

<pallas_src>
import functools

import jax
import jax.numpy as jnp
from jax import lax
from jax.experimental import pallas as pl
from jax.experimental.pallas import tpu as pltpu
from jax.experimental.pallas import tpu_sc as plsc

HIDDEN = 1024
BATCH = 4
SEQ = 4096
B = BATCH * SEQ
NW = 32
B_PER_W = B // NW
CHUNK = 16
NCHUNK = B_PER_W // CHUNK
NBUF = 4
NSTEP = NCHUNK // NBUF

_mesh = plsc.VectorSubcoreMesh(core_axis_name="c", subcore_axis_name="s")


@functools.partial(
    pl.kernel,
    mesh=_mesh,
    out_type=jax.ShapeDtypeStruct((B, HIDDEN), jnp.float32),
    scratch_types=[
        pltpu.VMEM((B_PER_W,), jnp.int32),
        [pltpu.VMEM((CHUNK, HIDDEN), jnp.float32) for _ in range(NBUF)],
        [pltpu.SemaphoreType.DMA for _ in range(NBUF)],
        [pltpu.SemaphoreType.DMA for _ in range(NBUF)],
    ],
)
def _emb_lookup(table_hbm, idx_hbm, out_hbm, idx_v, bufs, gsems, osems):
    wid = lax.axis_index("s") * 2 + lax.axis_index("c")
    base = wid * B_PER_W
    row = wid // (SEQ // B_PER_W)
    col = (wid % (SEQ // B_PER_W)) * B_PER_W
    pltpu.sync_copy(idx_hbm.at[row, pl.ds(col, B_PER_W)], idx_v)

    def gather(i, b):
        return pltpu.async_copy(
            table_hbm.at[idx_v.at[pl.ds(i * CHUNK, CHUNK)]],
            bufs[b],
            gsems[b],
        )

    def scatter(i, b):
        return pltpu.async_copy(
            bufs[b],
            out_hbm.at[pl.ds(base + i * CHUNK, CHUNK)],
            osems[b],
        )

    def gwait(b):
        pltpu.make_async_copy(
            table_hbm.at[pl.ds(0, CHUNK)], bufs[b], gsems[b]
        ).wait()

    def owait(b):
        pltpu.make_async_copy(
            bufs[b], out_hbm.at[pl.ds(base, CHUNK)], osems[b]
        ).wait()

    for b in range(NBUF):
        gather(b, b)

    @pl.loop(0, NSTEP - 1)
    def _round(j):
        i0 = j * NBUF
        for b in range(NBUF):
            gwait(b)
            scatter(i0 + b, b)
            owait(b)
            gather(i0 + NBUF + b, b)

    i0 = (NSTEP - 1) * NBUF
    for b in range(NBUF):
        gwait(b)
        scatter(i0 + b, b)
    for b in range(NBUF):
        owait(b)


def kernel(input_ids, embedding):
    ids = input_ids.astype(jnp.int32)
    out = _emb_lookup(embedding, ids)
    return out.reshape(BATCH, SEQ, HIDDEN)

# --- scband reference (transcript-rebuilt; emitter-appended) ---
"""Pipeline reference for scband-token-embedding-3006477107225 (READ-ONLY COPY).

The authoritative reference and input builder live on the scoring server;
editing this copy changes nothing except your own understanding.
"""

import jax, jax.numpy as jnp
import numpy as np

VOCAB_SIZE = 100000
HIDDEN_SIZE = 1024

def setup_inputs(seed: int = 0) -> dict:
    key = jax.random.key(seed)
    k_ids, k_emb = jax.random.split(key)
    input_ids = jax.random.randint(k_ids, (4, 4096), 0, VOCAB_SIZE, dtype=jnp.int64 if jax.config.jax_enable_x64 else jnp.int32)
    embedding = jax.random.normal(k_emb, (VOCAB_SIZE, HIDDEN_SIZE), dtype=jnp.float32) * 0.02
    return {"input_ids": input_ids, "embedding": embedding}

def reference(input_ids, embedding):
    # nn.Embedding lookup: table[idx]
    return jnp.take(embedding, input_ids, axis=0)

if __name__ == "__main__":
    import jax
    _d = setup_inputs()
    print(jax.jit(kernel)(*tuple(_d.values())))

</pallas_src>

<mosaic_0001>
#map = affine_map<(d0, d1) -> (0, 0)>
module attributes {stable_mosaic.version = 14 : i64} {
  func.func @_emb_lookup(%arg0: i32, %arg1: i32, %arg2: memref<100000x1024xf32, #tpu.memory_space<hbm>>, %arg3: memref<4x4096xi32, #tpu.memory_space<hbm>>, %arg4: memref<16384x1024xf32, #tpu.memory_space<hbm>>, %arg5: memref<512xi32, #tpu.memory_space<vmem>>, %arg6: memref<16x1024xf32, #tpu.memory_space<vmem>>, %arg7: memref<16x1024xf32, #tpu.memory_space<vmem>>, %arg8: memref<16x1024xf32, #tpu.memory_space<vmem>>, %arg9: memref<16x1024xf32, #tpu.memory_space<vmem>>, %arg10: memref<!tpu.dma_semaphore, #tpu.memory_space<semaphore_mem>>, %arg11: memref<!tpu.dma_semaphore, #tpu.memory_space<semaphore_mem>>, %arg12: memref<!tpu.dma_semaphore, #tpu.memory_space<semaphore_mem>>, %arg13: memref<!tpu.dma_semaphore, #tpu.memory_space<semaphore_mem>>, %arg14: memref<!tpu.dma_semaphore, #tpu.memory_space<semaphore_mem>>, %arg15: memref<!tpu.dma_semaphore, #tpu.memory_space<semaphore_mem>>, %arg16: memref<!tpu.dma_semaphore, #tpu.memory_space<semaphore_mem>>, %arg17: memref<!tpu.dma_semaphore, #tpu.memory_space<semaphore_mem>>) attributes {dimension_semantics = [#tpu.dimension_semantics<core_parallel>, #tpu.dimension_semantics<subcore_parallel>], iteration_bounds = array<i64: 2, 16>, scalar_prefetch = 0 : i64, scratch_operands = 13 : i64, tpu.core_type = #tpu.core_type<sc_vector_subcore>, window_params = [{transform_indices = #map}, {transform_indices = #map}, {transform_indices = #map}]} {
    %mul3A = arith.constant 2 : i32
    %mul3A_0 = arith.muli %arg1, %mul3A : i32
    %add3A = arith.addi %mul3A_0, %arg0 : i32
    %mul3A_1 = arith.constant 512 : i32
    %mul3A_2 = arith.muli %add3A, %mul3A_1 : i32
    %jit3A = arith.constant 8 : i32
    %div3A = arith.divsi %add3A, %jit3A : i32
    %sign3A = arith.constant 0 : i32
    %sign3A_3 = arith.cmpi sgt, %add3A, %sign3A : i32
    %sign3A_4 = arith.extui %sign3A_3 : i1 to i32
    %sign3A_5 = arith.constant 0 : i32
    %sign3A_6 = arith.cmpi slt, %add3A, %sign3A_5 : i32
    %sign3A_7 = arith.extui %sign3A_6 : i1 to i32
    %sign3A_8 = arith.subi %sign3A_4, %sign3A_7 : i32
    %sign3A_9 = arith.constant 0 : i32
    %sign3A_10 = arith.cmpi sgt, %jit3A, %sign3A_9 : i32
    %sign3A_11 = arith.extui %sign3A_10 : i1 to i32
    %sign3A_12 = arith.constant 0 : i32
    %sign3A_13 = arith.cmpi slt, %jit3A, %sign3A_12 : i32
    %sign3A_14 = arith.extui %sign3A_13 : i1 to i32
    %sign3A_15 = arith.subi %sign3A_11, %sign3A_14 : i32
    %ne3A = arith.cmpi ne, %sign3A_8, %sign3A_15 : i32
    %rem3A = arith.remsi %add3A, %jit3A : i32
    %ne3A_16 = arith.constant 0 : i32
    %ne3A_17 = arith.cmpi ne, %rem3A, %ne3A_16 : i32
    %and3A = arith.andi %ne3A, %ne3A_17 : i1
    %sub3A = arith.constant 1 : i32
    %sub3A_18 = arith.subi %div3A, %sub3A : i32
    %select_n3A = arith.select %and3A, %sub3A_18, %div3A : i32
    %jit3A_19 = arith.constant 8 : i32
    %eq3A = arith.constant 0 : i32
    %eq3A_20 = arith.cmpi eq, %jit3A_19, %eq3A : i32
    %jit3A_21 = arith.constant 1 : i32
    %select_n3A_22 = arith.select %eq3A_20, %jit3A_21, %jit3A_19 : i32
    %rem3A_23 = arith.remsi %add3A, %select_n3A_22 : i32
    %ne3A_24 = arith.constant 0 : i32
    %ne3A_25 = arith.cmpi ne, %rem3A_23, %ne3A_24 : i32
    %lt3A = arith.constant 0 : i32
    %lt3A_26 = arith.cmpi slt, %rem3A_23, %lt3A : i32
    %lt3A_27 = arith.constant 0 : i32
    %lt3A_28 = arith.cmpi slt, %select_n3A_22, %lt3A_27 : i32
    %ne3A_29 = arith.xori %lt3A_26, %lt3A_28 : i1
    %and3A_30 = arith.andi %ne3A_29, %ne3A_25 : i1
    %add3A_31 = arith.addi %rem3A_23, %select_n3A_22 : i32
    %select_n3A_32 = arith.select %and3A_30, %add3A_31, %rem3A_23 : i32
    %mul3A_33 = arith.constant 512 : i32
    %mul3A_34 = arith.muli %select_n3A_32, %mul3A_33 : i32
    "tpu.region"() ({
      %run_scoped3A = tpu.sem_alloc : memref<!tpu.dma_semaphore, #tpu.memory_space<semaphore_mem>>
      %dma_start3A_121 = tpu.memref_slice %arg3[%select_n3A, %mul3A_34] : memref<4x4096xi32, #tpu.memory_space<hbm>> -> memref<1x512xi32, #tpu.memory_space<hbm>>
      %dma_start3A_122 = tpu.memref_squeeze %dma_start3A_121 : memref<1x512xi32, #tpu.memory_space<hbm>> -> memref<512xi32, #tpu.memory_space<hbm>>
      %dma_start3A_123 = tpu.memref_slice %arg3[%select_n3A, %mul3A_34] : memref<4x4096xi32, #tpu.memory_space<hbm>> -> memref<1x512xi32, #tpu.memory_space<hbm>>
      %dma_start3A_124 = tpu.memref_squeeze %dma_start3A_123 : memref<1x512xi32, #tpu.memory_space<hbm>> -> memref<512xi32, #tpu.memory_space<hbm>>
      tpu.enqueue_dma source(%dma_start3A_124 : memref<512xi32, #tpu.memory_space<hbm>>) target(%arg5 : memref<512xi32, #tpu.memory_space<vmem>>) target_semaphore(%run_scoped3A : memref<!tpu.dma_semaphore, #tpu.memory_space<semaphore_mem>>)
      %dma_wait3A_125 = tpu.memref_slice %arg3[%select_n3A, %mul3A_34] : memref<4x4096xi32, #tpu.memory_space<hbm>> -> memref<1x512xi32, #tpu.memory_space<hbm>>
      %dma_wait3A_126 = tpu.memref_squeeze %dma_wait3A_125 : memref<1x512xi32, #tpu.memory_space<hbm>> -> memref<512xi32, #tpu.memory_space<hbm>>
      %dma_wait3A_127 = tpu.memref_slice %arg3[%select_n3A, %mul3A_34] : memref<4x4096xi32, #tpu.memory_space<hbm>> -> memref<1x512xi32, #tpu.memory_space<hbm>>
      %dma_wait3A_128 = tpu.memref_squeeze %dma_wait3A_127 : memref<1x512xi32, #tpu.memory_space<hbm>> -> memref<512xi32, #tpu.memory_space<hbm>>
      tpu.wait_dma2 semaphore(%run_scoped3A : memref<!tpu.dma_semaphore, #tpu.memory_space<semaphore_mem>>) src(%dma_wait3A_128 : memref<512xi32, #tpu.memory_space<hbm>>) dst(%arg5 : memref<512xi32, #tpu.memory_space<vmem>>)
      tpu.yield
    }) : () -> ()
    %dma_start3A = arith.constant 0 : i32
    %dma_start3A_35 = tpu.memref_slice %arg5[%dma_start3A] : memref<512xi32, #tpu.memory_space<vmem>> -> memref<16xi32, #tpu.memory_space<vmem>>
    %dma_start3A_36 = arith.constant 0 : i32
    %dma_start3A_37 = arith.constant 0 : i32
    %dma_start3A_38 = tpu.memref_slice %arg2[%dma_start3A_36, %dma_start3A_37] : memref<100000x1024xf32, #tpu.memory_space<hbm>> -> memref<100000x1024xf32, #tpu.memory_space<hbm>>
    tpu.enqueue_indirect_dma source(%dma_start3A_38 : memref<100000x1024xf32, #tpu.memory_space<hbm>>) target(%arg6 : memref<16x1024xf32, #tpu.memory_space<vmem>>) offsets(%dma_start3A_35 : memref<16xi32, #tpu.memory_space<vmem>>) semaphore(%arg10 : memref<!tpu.dma_semaphore, #tpu.memory_space<semaphore_mem>>)
    %dma_start3A_39 = arith.constant 16 : i32
    %dma_start3A_40 = tpu.memref_slice %arg5[%dma_start3A_39] : memref<512xi32, #tpu.memory_space<vmem>> -> memref<16xi32, #tpu.memory_space<vmem>>
    %dma_start3A_41 = arith.constant 0 : i32
    %dma_start3A_42 = arith.constant 0 : i32
    %dma_start3A_43 = tpu.memref_slice %arg2[%dma_start3A_41, %dma_start3A_42] : memref<100000x1024xf32, #tpu.memory_space<hbm>> -> memref<100000x1024xf32, #tpu.memory_space<hbm>>
    tpu.enqueue_indirect_dma source(%dma_start3A_43 : memref<100000x1024xf32, #tpu.memory_space<hbm>>) target(%arg7 : memref<16x1024xf32, #tpu.memory_space<vmem>>) offsets(%dma_start3A_40 : memref<16xi32, #tpu.memory_space<vmem>>) semaphore(%arg11 : memref<!tpu.dma_semaphore, #tpu.memory_space<semaphore_mem>>)
    %dma_start3A_44 = arith.constant 32 : i32
    %dma_start3A_45 = tpu.memref_slice %arg5[%dma_start3A_44] : memref<512xi32, #tpu.memory_space<vmem>> -> memref<16xi32, #tpu.memory_space<vmem>>
    %dma_start3A_46 = arith.constant 0 : i32
    %dma_start3A_47 = arith.constant 0 : i32
    %dma_start3A_48 = tpu.memref_slice %arg2[%dma_start3A_46, %dma_start3A_47] : memref<100000x1024xf32, #tpu.memory_space<hbm>> -> memref<100000x1024xf32, #tpu.memory_space<hbm>>
    tpu.enqueue_indirect_dma source(%dma_start3A_48 : memref<100000x1024xf32, #tpu.memory_space<hbm>>) target(%arg8 : memref<16x1024xf32, #tpu.memory_space<vmem>>) offsets(%dma_start3A_45 : memref<16xi32, #tpu.memory_space<vmem>>) semaphore(%arg12 : memref<!tpu.dma_semaphore, #tpu.memory_space<semaphore_mem>>)
    %dma_start3A_49 = arith.constant 48 : i32
    %dma_start3A_50 = tpu.memref_slice %arg5[%dma_start3A_49] : memref<512xi32, #tpu.memory_space<vmem>> -> memref<16xi32, #tpu.memory_space<vmem>>
    %dma_start3A_51 = arith.constant 0 : i32
    %dma_start3A_52 = arith.constant 0 : i32
    %dma_start3A_53 = tpu.memref_slice %arg2[%dma_start3A_51, %dma_start3A_52] : memref<100000x1024xf32, #tpu.memory_space<hbm>> -> memref<100000x1024xf32, #tpu.memory_space<hbm>>
    tpu.enqueue_indirect_dma source(%dma_start3A_53 : memref<100000x1024xf32, #tpu.memory_space<hbm>>) target(%arg9 : memref<16x1024xf32, #tpu.memory_space<vmem>>) offsets(%dma_start3A_50 : memref<16xi32, #tpu.memory_space<vmem>>) semaphore(%arg13 : memref<!tpu.dma_semaphore, #tpu.memory_space<semaphore_mem>>)
    %scan3A = arith.constant 0 : i32
    %scan3A_54 = arith.constant 7 : i32
    %scan3A_55 = arith.addi %scan3A, %scan3A_54 : i32
    %scan3A_56 = arith.constant 1 : i32
    scf.for %scan3A_121 = %scan3A to %scan3A_55 step %scan3A_56  : i32 {
      %mul3A_122 = arith.constant 1 : i32
      %mul3A_123 = arith.muli %scan3A_121, %mul3A_122 : i32
      %add3A_124 = arith.constant 0 : i32
      %add3A_125 = arith.addi %add3A_124, %mul3A_123 : i32
      %mul3A_126 = arith.constant 4 : i32
      %mul3A_127 = arith.muli %add3A_125, %mul3A_126 : i32
      %dma_wait3A_128 = arith.constant 0 : i32
      %dma_wait3A_129 = arith.constant 0 : i32
      %dma_wait3A_130 = tpu.memref_slice %arg2[%dma_wait3A_128, %dma_wait3A_129] : memref<100000x1024xf32, #tpu.memory_space<hbm>> -> memref<16x1024xf32, #tpu.memory_space<hbm>>
      %dma_wait3A_131 = arith.constant 0 : i32
      %dma_wait3A_132 = arith.constant 0 : i32
      %dma_wait3A_133 = tpu.memref_slice %arg2[%dma_wait3A_131, %dma_wait3A_132] : memref<100000x1024xf32, #tpu.memory_space<hbm>> -> memref<16x1024xf32, #tpu.memory_space<hbm>>
      tpu.wait_dma2 semaphore(%arg10 : memref<!tpu.dma_semaphore, #tpu.memory_space<semaphore_mem>>) src(%dma_wait3A_133 : memref<16x1024xf32, #tpu.memory_space<hbm>>) dst(%arg6 : memref<16x1024xf32, #tpu.memory_space<vmem>>)
      %add3A_134 = arith.constant 0 : i32
      %add3A_135 = arith.addi %mul3A_127, %add3A_134 : i32
      %mul3A_136 = arith.constant 16 : i32
      %mul3A_137 = arith.muli %add3A_135, %mul3A_136 : i32
      %add3A_138 = arith.addi %mul3A_2, %mul3A_137 : i32
      %dma_start3A_139 = arith.constant 0 : i32
      %dma_start3A_140 = tpu.memref_slice %arg4[%add3A_138, %dma_start3A_139] : memref<16384x1024xf32, #tpu.memory_space<hbm>> -> memref<16x1024xf32, #tpu.memory_space<hbm>>
      %dma_start3A_141 = arith.constant 0 : i32
      %dma_start3A_142 = tpu.memref_slice %arg4[%add3A_138, %dma_start3A_141] : memref<16384x1024xf32, #tpu.memory_space<hbm>> -> memref<16x1024xf32, #tpu.memory_space<hbm>>
      tpu.enqueue_dma source(%arg6 : memref<16x1024xf32, #tpu.memory_space<vmem>>) target(%dma_start3A_142 : memref<16x1024xf32, #tpu.memory_space<hbm>>) target_semaphore(%arg14 : memref<!tpu.dma_semaphore, #tpu.memory_space<semaphore_mem>>)
      %dma_wait3A_143 = arith.constant 0 : i32
      %dma_wait3A_144 = tpu.memref_slice %arg4[%mul3A_2, %dma_wait3A_143] : memref<16384x1024xf32, #tpu.memory_space<hbm>> -> memref<16x1024xf32, #tpu.memory_space<hbm>>
      %dma_wait3A_145 = arith.constant 0 : i32
      %dma_wait3A_146 = tpu.memref_slice %arg4[%mul3A_2, %dma_wait3A_145] : memref<16384x1024xf32, #tpu.memory_space<hbm>> -> memref<16x1024xf32, #tpu.memory_space<hbm>>
      tpu.wait_dma2 semaphore(%arg14 : memref<!tpu.dma_semaphore, #tpu.memory_space<semaphore_mem>>) src(%arg6 : memref<16x1024xf32, #tpu.memory_space<vmem>>) dst(%dma_wait3A_146 : memref<16x1024xf32, #tpu.memory_space<hbm>>)
      %add3A_147 = arith.constant 4 : i32
      %add3A_148 = arith.addi %mul3A_127, %add3A_147 : i32
      %add3A_149 = arith.constant 0 : i32
      %add3A_150 = arith.addi %add3A_148, %add3A_149 : i32
      %mul3A_151 = arith.constant 16 : i32
      %mul3A_152 = arith.muli %add3A_150, %mul3A_151 : i32
      %dma_start3A_153 = tpu.memref_slice %arg5[%mul3A_152] : memref<512xi32, #tpu.memory_space<vmem>> -> memref<16xi32, #tpu.memory_space<vmem>>
      %dma_start3A_154 = arith.constant 0 : i32
      %dma_start3A_155 = arith.constant 0 : i32
      %dma_start3A_156 = tpu.memref_slice %arg2[%dma_start3A_154, %dma_start3A_155] : memref<100000x1024xf32, #tpu.memory_space<hbm>> -> memref<100000x1024xf32, #tpu.memory_space<hbm>>
      tpu.enqueue_indirect_dma source(%dma_start3A_156 : memref<100000x1024xf32, #tpu.memory_space<hbm>>) target(%arg6 : memref<16x1024xf32, #tpu.memory_space<vmem>>) offsets(%dma_start3A_153 : memref<16xi32, #tpu.memory_space<vmem>>) semaphore(%arg10 : memref<!tpu.dma_semaphore, #tpu.memory_space<semaphore_mem>>)
      %dma_wait3A_157 = arith.constant 0 : i32
      %dma_wait3A_158 = arith.constant 0 : i32
      %dma_wait3A_159 = tpu.memref_slice %arg2[%dma_wait3A_157, %dma_wait3A_158] : memref<100000x1024xf32, #tpu.memory_space<hbm>> -> memref<16x1024xf32, #tpu.memory_space<hbm>>
      %dma_wait3A_160 = arith.constant 0 : i32
      %dma_wait3A_161 = arith.constant 0 : i32
      %dma_wait3A_162 = tpu.memref_slice %arg2[%dma_wait3A_160, %dma_wait3A_161] : memref<100000x1024xf32, #tpu.memory_space<hbm>> -> memref<16x1024xf32, #tpu.memory_space<hbm>>
      tpu.wait_dma2 semaphore(%arg11 : memref<!tpu.dma_semaphore, #tpu.memory_space<semaphore_mem>>) src(%dma_wait3A_162 : memref<16x1024xf32, #tpu.memory_space<hbm>>) dst(%arg7 : memref<16x1024xf32, #tpu.memory_space<vmem>>)
      %add3A_163 = arith.constant 1 : i32
      %add3A_164 = arith.addi %mul3A_127, %add3A_163 : i32
      %mul3A_165 = arith.constant 16 : i32
      %mul3A_166 = arith.muli %add3A_164, %mul3A_165 : i32
      %add3A_167 = arith.addi %mul3A_2, %mul3A_166 : i32
      %dma_start3A_168 = arith.constant 0 : i32
      %dma_start3A_169 = tpu.memref_slice %arg4[%add3A_167, %dma_start3A_168] : memref<16384x1024xf32, #tpu.memory_space<hbm>> -> memref<16x1024xf32, #tpu.memory_space<hbm>>
      %dma_start3A_170 = arith.constant 0 : i32
      %dma_start3A_171 = tpu.memref_slice %arg4[%add3A_167, %dma_start3A_170] : memref<16384x1024xf32, #tpu.memory_space<hbm>> -> memref<16x1024xf32, #tpu.memory_space<hbm>>
      tpu.enqueue_dma source(%arg7 : memref<16x1024xf32, #tpu.memory_space<vmem>>) target(%dma_start3A_171 : memref<16x1024xf32, #tpu.memory_space<hbm>>) target_semaphore(%arg15 : memref<!tpu.dma_semaphore, #tpu.memory_space<semaphore_mem>>)
      %dma_wait3A_172 = arith.constant 0 : i32
      %dma_wait3A_173 = tpu.memref_slice %arg4[%mul3A_2, %dma_wait3A_172] : memref<16384x1024xf32, #tpu.memory_space<hbm>> -> memref<16x1024xf32, #tpu.memory_space<hbm>>
      %dma_wait3A_174 = arith.constant 0 : i32
      %dma_wait3A_175 = tpu.memref_slice %arg4[%mul3A_2, %dma_wait3A_174] : memref<16384x1024xf32, #tpu.memory_space<hbm>> -> memref<16x1024xf32, #tpu.memory_space<hbm>>
      tpu.wait_dma2 semaphore(%arg15 : memref<!tpu.dma_semaphore, #tpu.memory_space<semaphore_mem>>) src(%arg7 : memref<16x1024xf32, #tpu.memory_space<vmem>>) dst(%dma_wait3A_175 : memref<16x1024xf32, #tpu.memory_space<hbm>>)
      %add3A_176 = arith.constant 4 : i32
      %add3A_177 = arith.addi %mul3A_127, %add3A_176 : i32
      %add3A_178 = arith.constant 1 : i32
      %add3A_179 = arith.addi %add3A_177, %add3A_178 : i32
      %mul3A_180 = arith.constant 16 : i32
      %mul3A_181 = arith.muli %add3A_179, %mul3A_180 : i32
      %dma_start3A_182 = tpu.memref_slice %arg5[%mul3A_181] : memref<512xi32, #tpu.memory_space<vmem>> -> memref<16xi32, #tpu.memory_space<vmem>>
      %dma_start3A_183 = arith.constant 0 : i32
      %dma_start3A_184 = arith.constant 0 : i32
      %dma_start3A_185 = tpu.memref_slice %arg2[%dma_start3A_183, %dma_start3A_184] : memref<100000x1024xf32, #tpu.memory_space<hbm>> -> memref<100000x1024xf32, #tpu.memory_space<hbm>>
      tpu.enqueue_indirect_dma source(%dma_start3A_185 : memref<100000x1024xf32, #tpu.memory_space<hbm>>) target(%arg7 : memref<16x1024xf32, #tpu.memory_space<vmem>>) offsets(%dma_start3A_182 : memref<16xi32, #tpu.memory_space<vmem>>) semaphore(%arg11 : memref<!tpu.dma_semaphore, #tpu.memory_space<semaphore_mem>>)
      %dma_wait3A_186 = arith.constant 0 : i32
      %dma_wait3A_187 = arith.constant 0 : i32
      %dma_wait3A_188 = tpu.memref_slice %arg2[%dma_wait3A_186, %dma_wait3A_187] : memref<100000x1024xf32, #tpu.memory_space<hbm>> -> memref<16x1024xf32, #tpu.memory_space<hbm>>
      %dma_wait3A_189 = arith.constant 0 : i32
      %dma_wait3A_190 = arith.constant 0 : i32
      %dma_wait3A_191 = tpu.memref_slice %arg2[%dma_wait3A_189, %dma_wait3A_190] : memref<100000x1024xf32, #tpu.memory_space<hbm>> -> memref<16x1024xf32, #tpu.memory_space<hbm>>
      tpu.wait_dma2 semaphore(%arg12 : memref<!tpu.dma_semaphore, #tpu.memory_space<semaphore_mem>>) src(%dma_wait3A_191 : memref<16x1024xf32, #tpu.memory_space<hbm>>) dst(%arg8 : memref<16x1024xf32, #tpu.memory_space<vmem>>)
      %add3A_192 = arith.constant 2 : i32
      %add3A_193 = arith.addi %mul3A_127, %add3A_192 : i32
      %mul3A_194 = arith.constant 16 : i32
      %mul3A_195 = arith.muli %add3A_193, %mul3A_194 : i32
      %add3A_196 = arith.addi %mul3A_2, %mul3A_195 : i32
      %dma_start3A_197 = arith.constant 0 : i32
      %dma_start3A_198 = tpu.memref_slice %arg4[%add3A_196, %dma_start3A_197] : memref<16384x1024xf32, #tpu.memory_space<hbm>> -> memref<16x1024xf32, #tpu.memory_space<hbm>>
      %dma_start3A_199 = arith.constant 0 : i32
      %dma_start3A_200 = tpu.memref_slice %arg4[%add3A_196, %dma_start3A_199] : memref<16384x1024xf32, #tpu.memory_space<hbm>> -> memref<16x1024xf32, #tpu.memory_space<hbm>>
      tpu.enqueue_dma source(%arg8 : memref<16x1024xf32, #tpu.memory_space<vmem>>) target(%dma_start3A_200 : memref<16x1024xf32, #tpu.memory_space<hbm>>) target_semaphore(%arg16 : memref<!tpu.dma_semaphore, #tpu.memory_space<semaphore_mem>>)
      %dma_wait3A_201 = arith.constant 0 : i32
      %dma_wait3A_202 = tpu.memref_slice %arg4[%mul3A_2, %dma_wait3A_201] : memref<16384x1024xf32, #tpu.memory_space<hbm>> -> memref<16x1024xf32, #tpu.memory_space<hbm>>
      %dma_wait3A_203 = arith.constant 0 : i32
      %dma_wait3A_204 = tpu.memref_slice %arg4[%mul3A_2, %dma_wait3A_203] : memref<16384x1024xf32, #tpu.memory_space<hbm>> -> memref<16x1024xf32, #tpu.memory_space<hbm>>
      tpu.wait_dma2 semaphore(%arg16 : memref<!tpu.dma_semaphore, #tpu.memory_space<semaphore_mem>>) src(%arg8 : memref<16x1024xf32, #tpu.memory_space<vmem>>) dst(%dma_wait3A_204 : memref<16x1024xf32, #tpu.memory_space<hbm>>)
      %add3A_205 = arith.constant 4 : i32
      %add3A_206 = arith.addi %mul3A_127, %add3A_205 : i32
      %add3A_207 = arith.constant 2 : i32
      %add3A_208 = arith.addi %add3A_206, %add3A_207 : i32
      %mul3A_209 = arith.constant 16 : i32
      %mul3A_210 = arith.muli %add3A_208, %mul3A_209 : i32
      %dma_start3A_211 = tpu.memref_slice %arg5[%mul3A_210] : memref<512xi32, #tpu.memory_space<vmem>> -> memref<16xi32, #tpu.memory_space<vmem>>
      %dma_start3A_212 = arith.constant 0 : i32
      %dma_start3A_213 = arith.constant 0 : i32
      %dma_start3A_214 = tpu.memref_slice %arg2[%dma_start3A_212, %dma_start3A_213] : memref<100000x1024xf32, #tpu.memory_space<hbm>> -> memref<100000x1024xf32, #tpu.memory_space<hbm>>
      tpu.enqueue_indirect_dma source(%dma_start3A_214 : memref<100000x1024xf32, #tpu.memory_space<hbm>>) target(%arg8 : memref<16x1024xf32, #tpu.memory_space<vmem>>) offsets(%dma_start3A_211 : memref<16xi32, #tpu.memory_space<vmem>>) semaphore(%arg12 : memref<!tpu.dma_semaphore, #tpu.memory_space<semaphore_mem>>)
      %dma_wait3A_215 = arith.constant 0 : i32
      %dma_wait3A_216 = arith.constant 0 : i32
      %dma_wait3A_217 = tpu.memref_slice %arg2[%dma_wait3A_215, %dma_wait3A_216] : memref<100000x1024xf32, #tpu.memory_space<hbm>> -> memref<16x1024xf32, #tpu.memory_space<hbm>>
      %dma_wait3A_218 = arith.constant 0 : i32
      %dma_wait3A_219 = arith.constant 0 : i32
      %dma_wait3A_220 = tpu.memref_slice %arg2[%dma_wait3A_218, %dma_wait3A_219] : memref<100000x1024xf32, #tpu.memory_space<hbm>> -> memref<16x1024xf32, #tpu.memory_space<hbm>>
      tpu.wait_dma2 semaphore(%arg13 : memref<!tpu.dma_semaphore, #tpu.memory_space<semaphore_mem>>) src(%dma_wait3A_220 : memref<16x1024xf32, #tpu.memory_space<hbm>>) dst(%arg9 : memref<16x1024xf32, #tpu.memory_space<vmem>>)
      %add3A_221 = arith.constant 3 : i32
      %add3A_222 = arith.addi %mul3A_127, %add3A_221 : i32
      %mul3A_223 = arith.constant 16 : i32
      %mul3A_224 = arith.muli %add3A_222, %mul3A_223 : i32
      %add3A_225 = arith.addi %mul3A_2, %mul3A_224 : i32
      %dma_start3A_226 = arith.constant 0 : i32
      %dma_start3A_227 = tpu.memref_slice %arg4[%add3A_225, %dma_start3A_226] : memref<16384x1024xf32, #tpu.memory_space<hbm>> -> memref<16x1024xf32, #tpu.memory_space<hbm>>
      %dma_start3A_228 = arith.constant 0 : i32
      %dma_start3A_229 = tpu.memref_slice %arg4[%add3A_225, %dma_start3A_228] : memref<16384x1024xf32, #tpu.memory_space<hbm>> -> memref<16x1024xf32, #tpu.memory_space<hbm>>
      tpu.enqueue_dma source(%arg9 : memref<16x1024xf32, #tpu.memory_space<vmem>>) target(%dma_start3A_229 : memref<16x1024xf32, #tpu.memory_space<hbm>>) target_semaphore(%arg17 : memref<!tpu.dma_semaphore, #tpu.memory_space<semaphore_mem>>)
      %dma_wait3A_230 = arith.constant 0 : i32
      %dma_wait3A_231 = tpu.memref_slice %arg4[%mul3A_2, %dma_wait3A_230] : memref<16384x1024xf32, #tpu.memory_space<hbm>> -> memref<16x1024xf32, #tpu.memory_space<hbm>>
      %dma_wait3A_232 = arith.constant 0 : i32
      %dma_wait3A_233 = tpu.memref_slice %arg4[%mul3A_2, %dma_wait3A_232] : memref<16384x1024xf32, #tpu.memory_space<hbm>> -> memref<16x1024xf32, #tpu.memory_space<hbm>>
      tpu.wait_dma2 semaphore(%arg17 : memref<!tpu.dma_semaphore, #tpu.memory_space<semaphore_mem>>) src(%arg9 : memref<16x1024xf32, #tpu.memory_space<vmem>>) dst(%dma_wait3A_233 : memref<16x1024xf32, #tpu.memory_space<hbm>>)
      %add3A_234 = arith.constant 4 : i32
      %add3A_235 = arith.addi %mul3A_127, %add3A_234 : i32
      %add3A_236 = arith.constant 3 : i32
      %add3A_237 = arith.addi %add3A_235, %add3A_236 : i32
      %mul3A_238 = arith.constant 16 : i32
      %mul3A_239 = arith.muli %add3A_237, %mul3A_238 : i32
      %dma_start3A_240 = tpu.memref_slice %arg5[%mul3A_239] : memref<512xi32, #tpu.memory_space<vmem>> -> memref<16xi32, #tpu.memory_space<vmem>>
      %dma_start3A_241 = arith.constant 0 : i32
      %dma_start3A_242 = arith.constant 0 : i32
      %dma_start3A_243 = tpu.memref_slice %arg2[%dma_start3A_241, %dma_start3A_242] : memref<100000x1024xf32, #tpu.memory_space<hbm>> -> memref<100000x1024xf32, #tpu.memory_space<hbm>>
      tpu.enqueue_indirect_dma source(%dma_start3A_243 : memref<100000x1024xf32, #tpu.memory_space<hbm>>) target(%arg9 : memref<16x1024xf32, #tpu.memory_space<vmem>>) offsets(%dma_start3A_240 : memref<16xi32, #tpu.memory_space<vmem>>) semaphore(%arg13 : memref<!tpu.dma_semaphore, #tpu.memory_space<semaphore_mem>>)
    }
    %scan3A_57 = arith.constant 7 : i32
    %dma_wait3A = arith.constant 0 : i32
    %dma_wait3A_58 = arith.constant 0 : i32
    %dma_wait3A_59 = tpu.memref_slice %arg2[%dma_wait3A, %dma_wait3A_58] : memref<100000x1024xf32, #tpu.memory_space<hbm>> -> memref<16x1024xf32, #tpu.memory_space<hbm>>
    %dma_wait3A_60 = arith.constant 0 : i32
    %dma_wait3A_61 = arith.constant 0 : i32
    %dma_wait3A_62 = tpu.memref_slice %arg2[%dma_wait3A_60, %dma_wait3A_61] : memref<100000x1024xf32, #tpu.memory_space<hbm>> -> memref<16x1024xf32, #tpu.memory_space<hbm>>
    tpu.wait_dma2 semaphore(%arg10 : memref<!tpu.dma_semaphore, #tpu.memory_space<semaphore_mem>>) src(%dma_wait3A_62 : memref<16x1024xf32, #tpu.memory_space<hbm>>) dst(%arg6 : memref<16x1024xf32, #tpu.memory_space<vmem>>)
    %add3A_63 = arith.constant 448 : i32
    %add3A_64 = arith.addi %mul3A_2, %add3A_63 : i32
    %dma_start3A_65 = arith.constant 0 : i32
    %dma_start3A_66 = tpu.memref_slice %arg4[%add3A_64, %dma_start3A_65] : memref<16384x1024xf32, #tpu.memory_space<hbm>> -> memref<16x1024xf32, #tpu.memory_space<hbm>>
    %dma_start3A_67 = arith.constant 0 : i32
    %dma_start3A_68 = tpu.memref_slice %arg4[%add3A_64, %dma_start3A_67] : memref<16384x1024xf32, #tpu.memory_space<hbm>> -> memref<16x1024xf32, #tpu.memory_space<hbm>>
    tpu.enqueue_dma source(%arg6 : memref<16x1024xf32, #tpu.memory_space<vmem>>) target(%dma_start3A_68 : memref<16x1024xf32, #tpu.memory_space<hbm>>) target_semaphore(%arg14 : memref<!tpu.dma_semaphore, #tpu.memory_space<semaphore_mem>>)
    %dma_wait3A_69 = arith.constant 0 : i32
    %dma_wait3A_70 = arith.constant 0 : i32
    %dma_wait3A_71 = tpu.memref_slice %arg2[%dma_wait3A_69, %dma_wait3A_70] : memref<100000x1024xf32, #tpu.memory_space<hbm>> -> memref<16x1024xf32, #tpu.memory_space<hbm>>
    %dma_wait3A_72 = arith.constant 0 : i32
    %dma_wait3A_73 = arith.constant 0 : i32
    %dma_wait3A_74 = tpu.memref_slice %arg2[%dma_wait3A_72, %dma_wait3A_73] : memref<100000x1024xf32, #tpu.memory_space<hbm>> -> memref<16x1024xf32, #tpu.memory_space<hbm>>
    tpu.wait_dma2 semaphore(%arg11 : memref<!tpu.dma_semaphore, #tpu.memory_space<semaphore_mem>>) src(%dma_wait3A_74 : memref<16x1024xf32, #tpu.memory_space<hbm>>) dst(%arg7 : memref<16x1024xf32, #tpu.memory_space<vmem>>)
    %add3A_75 = arith.constant 464 : i32
    %add3A_76 = arith.addi %mul3A_2, %add3A_75 : i32
    %dma_start3A_77 = arith.constant 0 : i32
    %dma_start3A_78 = tpu.memref_slice %arg4[%add3A_76, %dma_start3A_77] : memref<16384x1024xf32, #tpu.memory_space<hbm>> -> memref<16x1024xf32, #tpu.memory_space<hbm>>
    %dma_start3A_79 = arith.constant 0 : i32
    %dma_start3A_80 = tpu.memref_slice %arg4[%add3A_76, %dma_start3A_79] : memref<16384x1024xf32, #tpu.memory_space<hbm>> -> memref<16x1024xf32, #tpu.memory_space<hbm>>
    tpu.enqueue_dma source(%arg7 : memref<16x1024xf32, #tpu.memory_space<vmem>>) target(%dma_start3A_80 : memref<16x1024xf32, #tpu.memory_space<hbm>>) target_semaphore(%arg15 : memref<!tpu.dma_semaphore, #tpu.memory_space<semaphore_mem>>)
    %dma_wait3A_81 = arith.constant 0 : i32
    %dma_wait3A_82 = arith.constant 0 : i32
    %dma_wait3A_83 = tpu.memref_slice %arg2[%dma_wait3A_81, %dma_wait3A_82] : memref<100000x1024xf32, #tpu.memory_space<hbm>> -> memref<16x1024xf32, #tpu.memory_space<hbm>>
    %dma_wait3A_84 = arith.constant 0 : i32
    %dma_wait3A_85 = arith.constant 0 : i32
    %dma_wait3A_86 = tpu.memref_slice %arg2[%dma_wait3A_84, %dma_wait3A_85] : memref<100000x1024xf32, #tpu.memory_space<hbm>> -> memref<16x1024xf32, #tpu.memory_space<hbm>>
    tpu.wait_dma2 semaphore(%arg12 : memref<!tpu.dma_semaphore, #tpu.memory_space<semaphore_mem>>) src(%dma_wait3A_86 : memref<16x1024xf32, #tpu.memory_space<hbm>>) dst(%arg8 : memref<16x1024xf32, #tpu.memory_space<vmem>>)
    %add3A_87 = arith.constant 480 : i32
    %add3A_88 = arith.addi %mul3A_2, %add3A_87 : i32
    %dma_start3A_89 = arith.constant 0 : i32
    %dma_start3A_90 = tpu.memref_slice %arg4[%add3A_88, %dma_start3A_89] : memref<16384x1024xf32, #tpu.memory_space<hbm>> -> memref<16x1024xf32, #tpu.memory_space<hbm>>
    %dma_start3A_91 = arith.constant 0 : i32
    %dma_start3A_92 = tpu.memref_slice %arg4[%add3A_88, %dma_start3A_91] : memref<16384x1024xf32, #tpu.memory_space<hbm>> -> memref<16x1024xf32, #tpu.memory_space<hbm>>
    tpu.enqueue_dma source(%arg8 : memref<16x1024xf32, #tpu.memory_space<vmem>>) target(%dma_start3A_92 : memref<16x1024xf32, #tpu.memory_space<hbm>>) target_semaphore(%arg16 : memref<!tpu.dma_semaphore, #tpu.memory_space<semaphore_mem>>)
    %dma_wait3A_93 = arith.constant 0 : i32
    %dma_wait3A_94 = arith.constant 0 : i32
    %dma_wait3A_95 = tpu.memref_slice %arg2[%dma_wait3A_93, %dma_wait3A_94] : memref<100000x1024xf32, #tpu.memory_space<hbm>> -> memref<16x1024xf32, #tpu.memory_space<hbm>>
    %dma_wait3A_96 = arith.constant 0 : i32
    %dma_wait3A_97 = arith.constant 0 : i32
    %dma_wait3A_98 = tpu.memref_slice %arg2[%dma_wait3A_96, %dma_wait3A_97] : memref<100000x1024xf32, #tpu.memory_space<hbm>> -> memref<16x1024xf32, #tpu.memory_space<hbm>>
    tpu.wait_dma2 semaphore(%arg13 : memref<!tpu.dma_semaphore, #tpu.memory_space<semaphore_mem>>) src(%dma_wait3A_98 : memref<16x1024xf32, #tpu.memory_space<hbm>>) dst(%arg9 : memref<16x1024xf32, #tpu.memory_space<vmem>>)
    %add3A_99 = arith.constant 496 : i32
    %add3A_100 = arith.addi %mul3A_2, %add3A_99 : i32
    %dma_start3A_101 = arith.constant 0 : i32
    %dma_start3A_102 = tpu.memref_slice %arg4[%add3A_100, %dma_start3A_101] : memref<16384x1024xf32, #tpu.memory_space<hbm>> -> memref<16x1024xf32, #tpu.memory_space<hbm>>
    %dma_start3A_103 = arith.constant 0 : i32
    %dma_start3A_104 = tpu.memref_slice %arg4[%add3A_100, %dma_start3A_103] : memref<16384x1024xf32, #tpu.memory_space<hbm>> -> memref<16x1024xf32, #tpu.memory_space<hbm>>
    tpu.enqueue_dma source(%arg9 : memref<16x1024xf32, #tpu.memory_space<vmem>>) target(%dma_start3A_104 : memref<16x1024xf32, #tpu.memory_space<hbm>>) target_semaphore(%arg17 : memref<!tpu.dma_semaphore, #tpu.memory_space<semaphore_mem>>)
    %dma_wait3A_105 = arith.constant 0 : i32
    %dma_wait3A_106 = tpu.memref_slice %arg4[%mul3A_2, %dma_wait3A_105] : memref<16384x1024xf32, #tpu.memory_space<hbm>> -> memref<16x1024xf32, #tpu.memory_space<hbm>>
    %dma_wait3A_107 = arith.constant 0 : i32
    %dma_wait3A_108 = tpu.memref_slice %arg4[%mul3A_2, %dma_wait3A_107] : memref<16384x1024xf32, #tpu.memory_space<hbm>> -> memref<16x1024xf32, #tpu.memory_space<hbm>>
    tpu.wait_dma2 semaphore(%arg14 : memref<!tpu.dma_semaphore, #tpu.memory_space<semaphore_mem>>) src(%arg6 : memref<16x1024xf32, #tpu.memory_space<vmem>>) dst(%dma_wait3A_108 : memref<16x1024xf32, #tpu.memory_space<hbm>>)
    %dma_wait3A_109 = arith.constant 0 : i32
    %dma_wait3A_110 = tpu.memref_slice %arg4[%mul3A_2, %dma_wait3A_109] : memref<16384x1024xf32, #tpu.memory_space<hbm>> -> memref<16x1024xf32, #tpu.memory_space<hbm>>
    %dma_wait3A_111 = arith.constant 0 : i32
    %dma_wait3A_112 = tpu.memref_slice %arg4[%mul3A_2, %dma_wait3A_111] : memref<16384x1024xf32, #tpu.memory_space<hbm>> -> memref<16x1024xf32, #tpu.memory_space<hbm>>
    tpu.wait_dma2 semaphore(%arg15 : memref<!tpu.dma_semaphore, #tpu.memory_space<semaphore_mem>>) src(%arg7 : memref<16x1024xf32, #tpu.memory_space<vmem>>) dst(%dma_wait3A_112 : memref<16x1024xf32, #tpu.memory_space<hbm>>)
    %dma_wait3A_113 = arith.constant 0 : i32
    %dma_wait3A_114 = tpu.memref_slice %arg4[%mul3A_2, %dma_wait3A_113] : memref<16384x1024xf32, #tpu.memory_space<hbm>> -> memref<16x1024xf32, #tpu.memory_space<hbm>>
    %dma_wait3A_115 = arith.constant 0 : i32
    %dma_wait3A_116 = tpu.memref_slice %arg4[%mul3A_2, %dma_wait3A_115] : memref<16384x1024xf32, #tpu.memory_space<hbm>> -> memref<16x1024xf32, #tpu.memory_space<hbm>>
    tpu.wait_dma2 semaphore(%arg16 : memref<!tpu.dma_semaphore, #tpu.memory_space<semaphore_mem>>) src(%arg8 : memref<16x1024xf32, #tpu.memory_space<vmem>>) dst(%dma_wait3A_116 : memref<16x1024xf32, #tpu.memory_space<hbm>>)
    %dma_wait3A_117 = arith.constant 0 : i32
    %dma_wait3A_118 = tpu.memref_slice %arg4[%mul3A_2, %dma_wait3A_117] : memref<16384x1024xf32, #tpu.memory_space<hbm>> -> memref<16x1024xf32, #tpu.memory_space<hbm>>
    %dma_wait3A_119 = arith.constant 0 : i32
    %dma_wait3A_120 = tpu.memref_slice %arg4[%mul3A_2, %dma_wait3A_119] : memref<16384x1024xf32, #tpu.memory_space<hbm>> -> memref<16x1024xf32, #tpu.memory_space<hbm>>
    tpu.wait_dma2 semaphore(%arg17 : memref<!tpu.dma_semaphore, #tpu.memory_space<semaphore_mem>>) src(%arg9 : memref<16x1024xf32, #tpu.memory_space<vmem>>) dst(%dma_wait3A_120 : memref<16x1024xf32, #tpu.memory_space<hbm>>)
    return
  }
}

</mosaic_0001>

<sc_bundles>
// kernel: kernel.3.cloned.1.call-start
scs
__scs_entry_jumppad:
0x0: {  	(pc) =	sbr.rel $0x88, $3  }
0x1: {  	(tag) =	ssettag $0x0;
	lr =	simm.s32 $0x1  }
0x2: {  	[smem:$0x3F9F] =	sst lr;
	_ =	strace $0xD0000000  }
0x3: {  	_ = 	snop  }
0x4: {  	_ = 	snop  }
0x5: {  	_ = 	snop  }
0x6: {  	_ = 	snop  }
0x7: {  	_ = 	snop  }
__scs_overlays_trampoline_lowered:
0x8: {  	[smem:$0x3FAE] =	sst s0  }
0x9: {  	[smem:$0x3FAF] =	sst s1  }
0xa: {  	[smem:$0x3FB0] =	sst s2  }
0xb: {  	[smem:$0x3FB1] =	sst s3  }
0xc: {  	[smem:$0x3FB2] =	sst s4  }
0xd: {  	[smem:$0x3FB3] =	sst s5  }
0xe: {  	[smem:$0x3FB4] =	sst s6  }
0xf: {  	[smem:$0x3FB5] =	sst s7  }
0x10: {  	[smem:$0x3FB6] =	sst s8  }
0x11: {  	[smem:$0x3FB7] =	sst s9;
	s0 =	simm.s32 @!p0 $0x0  }
0x12: {  	s1 =	sld [smem:$0x3F9D];
	s0 =	simm.s32 @p0 $0x1  }
0x13: {  	[smem:$0x3FB8] =	sst s0;
	s0 =	simm.s32 @!p1 $0x0  }
0x14: {  	s2 =	sld [smem:$0x3F9C];
	s0 =	simm.s32 @p1 $0x1  }
0x15: {  	[smem:$0x3FB9] =	sst s0;
	s0 =	simm.s32 @!p2 $0x0  }
0x16: {  	s3 =	sld [smem:$0x3FDB];
	s0 =	simm.s32 @p2 $0x1  }
0x17: {  	s4 =	simm.s32 $0x1BF5;
	[smem:$0x3FBB] =	sst s0  }
0x18: {  	s0 =	sld [smem:$0x3F9E];
	_ =	swait.ge [sflag:s4], $0x0  }
0x19: {  	s7 =	sld [smem:$0x3F9F]  }
0x1a: {  	s8 =	sadd.s32 $0xFFFFE003, lr  }
0x1b: {  	s9 =	sadd.s32 $0xFFFFFEF7, lr;
	s5 =	simm.s32 $0xFFFFFFFF;
	p2 =	slt.u32 s8, $0xFFFFF086  }
0x1c: {  	p1 =	slt.u32 s9, $0xF7A;
	s5 =	simm.s32 @!p2 $0x0  }
0x1d: {  	s5 =	simm.s32 @p1 $0x1;
	p0 =	seq.s32 s7, s2  }
0x1e: {  	s7 =	smul.u32 @!p0 $0xF7A, s2;
	p2 =	seq.s32 @!p0 s5, $0x0  }
0x1f: {  	s9 =	smul.u32 $0xF7A, s1;
	s8 =	simm.s32 @!p0 $0x1BF5;
	p2 =	por !p2, p0  }
0x20: {  	[sflag:s8] =	ssyncset.s32 @!p0 $0xFFFFF086;
	s6 =	sadd.s32 @!p0 s3, s7;
	s7 =	simm.s32 @!p0 $0x108  }
0x21: {  	s3 =	sadd.s32 s3, s9;
	s6 =	sadd.s32 @!p0 $0x88, s6;
	s7 =	simm.s32 @p2 $0x1082  }
0x22: {  	[simem:s7], [sflag:s8] =	dma.local @!p0 [hbm:s6], $0xF7A  }
0x23: {  	s9 =	sor.u32 $0xD0000000, s2;
	s6 =	simm.s32 $0x108;
	_ =	swait.ge @!p0 [sflag:s8], $0x0  }
0x24: {  	s3 =	sadd.s32 $0x88, s3;
	s6 =	simm.s32 @!p1 $0x1082;
	[sflag:s4] =	ssyncset.s32 $0xFFFFF086  }
0x25: {  	[simem:s6], [sflag:s4] =	dma.local [hbm:s3], $0xF7A  }
0x26: {  	[smem:$0x3F9F] =	sst s1;
	(tag) =	ssettag s2;
	_ =	strace s9  }
0x27: {  	s1 =	sld [smem:$0x3FAF]  }
0x28: {  	s2 =	sld [smem:$0x3FB0]  }
0x29: {  	s4 =	sld [smem:$0x3FB2]  }
0x2a: {  	p0 =	seq.s32 s5, $0x0;
	s5 =	sld [smem:$0x3FB3]  }
0x2b: {  	s6 =	sld [smem:$0x3FB4]  }
0x2c: {  	s7 =	sld [smem:$0x3FB5]  }
0x2d: {  	s3 =	simm.s32 $0x108;
	s8 =	sld [smem:$0x3FB6]  }
0x2e: {  	s3 =	simm.s32 @!p0 $0x1082;
	s9 =	sld [smem:$0x3FB7]  }
0x2f: {  	lr =	sadd.s32 s0, s3;
	s0 =	sld [smem:$0x3FAE]  }
0x30: {  	s3 =	sld [smem:$0x3FB1]  }
0x31: {  	[smem:$0x3FBA] =	sst s10  }
0x32: {  	s10 =	sld [smem:$0x3FB8];
	_ =	sdelay $0x3  }
0x33: {  	p0 =	seq.s32 s10, $0x1;
	s10 =	sld [smem:$0x3FBA];
	_ =	sdelay $0x3  }
0x34: {  	[smem:$0x3FBA] =	sst s10  }
0x35: {  	s10 =	sld [smem:$0x3FB9];
	_ =	sdelay $0x3  }
0x36: {  	p1 =	seq.s32 s10, $0x1;
	s10 =	sld [smem:$0x3FBA];
	_ =	sdelay $0x3  }
0x37: {  	[smem:$0x3FBA] =	sst s10  }
0x38: {  	s10 =	sld [smem:$0x3FBB]  }
0x39: {  	_ = 	snop;
	(pc) =	sbr.ind lr, $3  }
0x3a: {  	_ = 	snop  }
0x3b: {  	_ = 	snop  }
0x3c: {  	p2 =	seq.s32 s10, $0x1;
	s10 =	sld [smem:$0x3FBA]  }
0x3d: {  	_ =	shalt  }
0x3e: {  	_ =	shalt  }
0x3f: {  	_ =	shalt  }
0x40: {  	_ =	shalt  }
0x41: {  	_ =	shalt  }
0x42: {  	_ =	shalt  }
0x43: {  	_ =	shalt  }
0x44: {  	_ =	shalt  }
0x45: {  	_ =	shalt  }
0x46: {  	_ =	shalt  }
0x47: {  	_ =	shalt  }
0x48: {  	_ =	shalt  }
0x49: {  	_ =	shalt  }
0x4a: {  	_ =	shalt  }
0x4b: {  	_ =	shalt  }
0x4c: {  	_ =	shalt  }
0x4d: {  	_ =	shalt  }
0x4e: {  	_ =	shalt  }
0x4f: {  	_ =	shalt  }
0x50: {  	_ =	shalt  }
0x51: {  	_ =	shalt  }
0x52: {  	_ =	shalt  }
0x53: {  	_ =	shalt  }
0x54: {  	_ =	shalt  }
0x55: {  	_ =	shalt  }
0x56: {  	_ =	shalt  }
0x57: {  	_ =	shalt  }
0x58: {  	_ =	shalt  }
0x59: {  	_ =	shalt  }
0x5a: {  	_ =	shalt  }
0x5b: {  	_ =	shalt  }
0x5c: {  	_ =	shalt  }
0x5d: {  	_ =	shalt  }
0x5e: {  	_ =	shalt  }
0x5f: {  	_ =	shalt  }
0x60: {  	_ =	shalt  }
0x61: {  	_ =	shalt  }
0x62: {  	_ =	shalt  }
0x63: {  	_ =	shalt  }
0x64: {  	_ =	shalt  }
0x65: {  	_ =	shalt  }
0x66: {  	_ =	shalt  }
0x67: {  	_ =	shalt  }
0x68: {  	_ =	shalt  }
0x69: {  	_ =	shalt  }
0x6a: {  	_ =	shalt  }
0x6b: {  	_ =	shalt  }
0x6c: {  	_ =	shalt  }
0x6d: {  	_ =	shalt  }
0x6e: {  	_ =	shalt  }
0x6f: {  	_ =	shalt  }
0x70: {  	_ =	shalt  }
0x71: {  	_ =	shalt  }
0x72: {  	_ =	shalt  }
0x73: {  	_ =	shalt  }
0x74: {  	_ =	shalt  }
0x75: {  	_ =	shalt  }
0x76: {  	_ =	shalt  }
0x77: {  	_ =	shalt  }
0x78: {  	_ =	shalt  }
0x79: {  	_ =	shalt  }
0x7a: {  	_ =	shalt  }
0x7b: {  	_ =	shalt  }
0x7c: {  	_ =	shalt  }
0x7d: {  	_ =	shalt  }
0x7e: {  	_ =	shalt  }
0x7f: {  	_ =	shalt  }
0x80: {  	_ =	shalt  }
0x81: {  	_ =	shalt  }
0x82: {  	_ =	shalt  }
0x83: {  	_ =	shalt  }
0x84: {  	_ =	shalt  }
0x85: {  	_ =	shalt  }
0x86: {  	_ =	shalt  }
0x87: {  	_ =	shalt  }
.Lfunc_end0:
.L_simem_size_0:
called_computation_lowered:
.L_overlay_start_0:
0x88: {  	s2 =	sld [smem:$0x3FD9]  }
0x89: {  	s3 =	sld [smem:$0x3FFE];
	_ =	sdelay $0x1  }
0x8a: {  	s1 =	srdreg.scid  }
0x8b: {  	s0 =	sand.u32 $0x1, s1  }
0x8c: {  	s18 =	sshll.u32 s0, $0xA;
	s2 =	sadd.s32 s3, s2  }
0x8d: {  	s2 =	sadd.s32 s2, s18  }
0x8e: {  	[smem:$0x3FC6] =	sst s2  }
0x8f: {  	_ = 	snop  }
0x90: {  	s2 =	sld [smem:$0x3FC9]  }
0x91: {  	s19 =	sld [smem:$0x3FC8]  }
0x92: {  	s4 =	sld [smem:$0x3FD0];
	(tm) =	ssettm $0x1  }
0x93: {  	s5 =	sld [smem:$0x3FFB];
	_ =	sdelay $0x3  }
0x94: {  	_ =	strace s5  }
0x95: {  	s5 =	sld [smem:$0x3FFC];
	_ =	sdelay $0x3  }
0x96: {  	_ =	strace s5  }
0x97: {  	s5 =	sld [smem:$0x3FFD];
	_ =	sdelay $0x3  }
0x98: {  	_ =	strace s5  }
0x99: {  	_ =	strace $0x8FFFFFFF  }
0x9a: {  	s20 =	sld [smem:$0x3FDB];
	_ =	sdelay $0x1  }
0x9b: {  	s6 =	simm.s32 $_scs_section_size  }
0x9c: {  	s7 =	simm.s32 $_size__tile_overlayer_lowered;
	s8 =	simm.s32 $_tile_overlayer_lowered  }
0x9d: {  	s23 =	simm.s32 $0x1BFF;
	s22 =	sshll.u32 s8, $0x1;
	s5 =	sadd.s32 s6, s20  }
0x9e: {  	s9 =	simm.s32 $0x0;
	s21 =	sshll.u32 s7, $0x1;
	s7 =	sadd.s32 s22, s5  }
0x9f: {  	[timem:s9], [sflag:s23] =	dma.local [hbm:s7], s21  }
0xa0: {  	_ =	swait.ge [sflag:s23], s21  }
0xa1: {  	s6 =	ssub.s32 $0x0, s21;
	[sflag:s23] =	ssyncset.done $0x0  }
0xa2: {  	[sflag:s23] =	ssyncadd.s32 s6;
	_ =	sdelay $0x1  }
0xa3: {  	s24 =	simm.s32 $0x1B8B  }
0xa4: {  	_ =	swait.ge [sflag:s24], $0x1  }
0xa5: {  	[sflag:s24] =	ssyncset.done $0x0  }
0xa6: {  	s25 =	simm.s32 $0x1B8E;
	[sflag:s24] =	ssyncadd.s32 $0xFFFFFFFF  }
0xa7: {  	s26 =	simm.s32 $execute0_lowered;
	[smem:$0x3FD2] =	sst s25  }
0xa8: {  	s6 =	sshll.u32 s26, $0x1;
	_ =	strace $0x80000046;
	[dreg:$0x1] =	wrdreg $0xFFFFFFFF  }
0xa9: {  	s28 =	simm.s32 $_size_execute0_lowered;
	s5 =	sadd.s32 s5, s6;
	[dreg:$0x0] =	wrdreg $0x0  }
0xaa: {  	s6 =	sshll.u32 s28, $0x1;
	[dreg:$0x2] =	wrdreg s5  }
0xab: {  	[dreg:$0x3] =	wrdreg s6  }
0xac: {  	[dreg:$0x4] =	wrdreg $0xC0  }
0xad: {  	_ =	task [dreg:s9], $0x5FFFF  }
0xae: {  	[dreg:$0x1] =	wrdreg $0xFFFFFFFF  }
0xaf: {  	[dreg:$0x0] =	wrdreg $0x60  }
0xb0: {  	[dreg:$0x2] =	wrdreg s19  }
0xb1: {  	[dreg:$0x3] =	wrdreg s2  }
0xb2: {  	[dreg:$0x4] =	wrdreg s4  }
0xb3: {  	[dreg:$0x5] =	wrdreg $0x9  }
0xb4: {  	_ =	task.clear_ibuf [dreg:s9], $0x6FFFF;
	_ =	strace $0x90000046  }
0xb5: {  	s29 =	simm.s32 $0x9;
	_ =	strace $0x80000048  }
0xb6: {  	_ =	swait.ge [sflag:s29], $0x1  }
0xb7: {  	[sflag:s29] =	ssyncadd.s32 $0xFFFFFFFF  }
0xb8: {  	_ =	strace $0x90000048  }
0xb9: {  	_ =	sfence  }
0xba: {  	s30 =	sld [smem:$0x0];
	_ =	sdelay $0x2  }
0xbb: {  	s31 =	sshll.u32 s1, $0xD;
	s1 =	sshrl.u32 s1, $0x2  }
0xbc: {  	s3 =	sand.u32 $0x4000, s31;
	s1 =	sadd.s32 s1, s30  }
0xbd: {  	s0 =	sor.u32 s3, s0;
	s1 =	sshll.u32 s1, $0x11  }
0xbe: {  	s0 =	sor.u32 s1, s0  }
0xbf: {  	s0 =	sadd.s32 $0x8F2B, s0  }
0xc0: {  	[sflag:s0] =	ssyncadd.remote.s32 $0x1  }
0xc1: {  	_ =	sfence.sel $0xFFFF  }
0xc2: {  	[dreg:$0x0] =	wrdreg $0xFFFFFFFF;
	(pc) =	sbr.abs _section_cstart, $3  }
0xc3: {  	[dreg:$0x1] =	wrdreg $0xFFFFFFFF  }
0xc4: {  	_ =	task.clear_ibuf [dreg:s9], $0x2FFFF;
	_ =	strace $0x9FFFFFFF  }
0xc5: {  	(tm) =	ssettm $0x7FFFFFFF  }
tec
execute0_lowered:
.L_overlay_start_1:
0x0: {  	(tag) =	ssettag $0x1  }
0x1: {  	s1 =	rddreg [dreg:$0x0]  }
0x2: {  	s0 =	rddreg [dreg:$0x1]  }
0x3: {  	s2 =	rddreg [dreg:$0x2];
	s3 =	simm.s32 $0x0;
	s4 =	srdreg.scid  }
0x4: {  	s10 =	stileid.u32;
	s11 =	simm.s32 $0x2200;
	s13 =	simm.s32 $0x2A00  }
0x5: {  	s15 =	simm.s32 $0x3200;
	s16 =	simm.s32 $0x3A00;
	s17 =	simm.s32 $0x4A00  }
0x6: {  	s18 =	simm.s32 $0x5200;
	s19 =	simm.s32 $0x5A00;
	s14 =	simm.s32 $0x6A00  }
0x7: {  	s12 =	simm.s32 $0xC200;
	s28 =	simm.s32 $0x3;
	s29 =	simm.s32 $0x7  }
0x8: {  	s30 =	simm.s32 $0x4;
	s31 =	simm.s32 $0x8;
	[smem:$0x7FF] =	sst s3  }
0x9: {  	s4 =	sand.u32 $0x1, s4;
	s5 =	sshll.u32 s10, $0x1;
	s6 =	sshll.u32 s10, $0x2  }
0xa: {  	s22 =	sshll.u32 s10, $0x11;
	s10 =	simm.s32 $0x1A00;
	_ =	strace $0x80000047  }
0xb: {  	s5 =	sor.u32 s4, s5;
	s7 =	ssub.s32 $0x2, s4;
	s6 =	sand.u32 $0x30, s6  }
0xc: {  	s4 =	sshll.u32 s4, $0x10;
	s8 =	sshll.u32 s5, $0x8;
	s9 =	sshrl.u32 s7, $0x1  }
0xd: {  	s0 =	sadd.s32 s0, s6;
	s20 =	sshll.u32 s5, $0x10;
	s5 =	sadd.s32 $0x100, s1  }
0xe: {  	s6 =	sadd.s32 $0x200, s1;
	s8 =	sand.u32 $0x700, s8;
	s9 =	ssub.s32 s7, s9  }
0xf: {  	s7 =	sadd.s32 $0x300, s1;
	s0 =	sadd.s32 s8, s0;
	s26 =	smax.u32 s9, $0x1  }
0x10: {  	s8 =	simm.s32 $0xA00;
	[dreg:$0x5] =	wrdreg s0;
	s0 =	sadd.s32 s20, s2  }
0x11: {  	s9 =	simm.s32 $0x8200;
	[dreg:$0xa] =	wrdreg s26;
	s21 =	sadd.s32 $0xE000, s0  }
0x12: {  	s2 =	sadd.s32 s22, s2;
	s23 =	sadd.s32 $0xE800, s0;
	[dreg:$0x6] =	wrdreg s21  }
0x13: {  	s20 =	simm.s32 $0x6200;
	s24 =	sadd.s32 $0xF000, s0;
	[dreg:$0x7] =	wrdreg s23  }
0x14: {  	s22 =	simm.s32 $0x1;
	s0 =	sadd.s32 $0xF800, s0;
	[dreg:$0x8] =	wrdreg s24  }
0x15: {  	v2 =	vlaneseq.u32;
	s26 =	simm.s32 $0x6;
	s25 =	sadd.s32 s4, s2;
	[dreg:$0x9] =	wrdreg s0  }
0x16: {  	vm0 =	vmmov $0xffff;
	v1 =	vshrl.u32 v2, $0x3;
	s4 =	simm.s32 $0x0;
	[dreg:$0x4] =	wrdreg s25;
	s23 =	simm.s32 $0x1200  }
0x17: {  	v0 =	vand.u32 $0x7, v2;
	v2 =	vor.u32 $0x8, v2;
	v1 =	vmul.u32 $0x8, v1;
	s0 =	simm.s32 $0x4200;
	s24 =	simm.s32 $0x5;
	s25 =	simm.s32 $0x2  }
.LBB2_1:
0x18: {  	[dreg:$0xb] =	wrdreg s4  }
0x19: {  	s2 =	rddreg [dreg:$0x5];
	s4 =	simm.s32 $0x80;
	s21 =	simm.s32 $0x200  }
0x1a: {  	[tilespmem:s3], [sflag:$0x9] =	stream.strided.gather [hbm4b:s2+s4], $0x200, s21, s4, $0x38;
	[tilespmem:$0x10200] =	vst v63  }
0x1b: {  	s4 =	simm.s32 $0x9  }
0x1c: {  	_ =	swait.ge [sflag:s4], $0x200  }
0x1d: {  	[sflag:s4] =	ssyncset.done $0x0  }
0x1e: {  	[sflag:s4] =	ssyncadd.s32 $0xFFFFFE00  }
0x1f: {  	v3 =	vld [tilespmem:$0x0];
	_ =	sdelay $0x4  }
0x20: {  	v4 =	vshll.u32 v3, $0x3  }
0x21: {  	v3 =	vand.u32 $0x7, v3;
	v4 =	vand.u32 $0xFFFFFFC0, v4  }
0x22: {  	v3 =	vor.u32 v3, v4  }
0x23: {  	v4 =	vperm.xlane v3, v0;
	_ =	sdelay $0x1  }
0x24: {  	v4 =	vadd.s32 v1, v4;
	_ =	sdelay $0x4  }
0x25: {  	[tilespmem:s21], [sflag:$0x1] =	stream.indirect_vreg.gather [hbm4b:s1+s3], $0x80, v4, vm0, $0xb8;
	[tilespmem:$0x10200] =	vst v63  }
0x26: {  	v3 =	vperm.xlane v3, v2  }
0x27: {  	[tilespmem:s8], [sflag:$0x1] =	stream.indirect_vreg.gather [hbm4b:s5+s3], $0x80, v4, vm0, $0xb8;
	[tilespmem:$0x10200] =	vst v63  }
0x28: {  	v3 =	vadd.s32 v1, v3  }
0x29: {  	[tilespmem:s23], [sflag:$0x1] =	stream.indirect_vreg.gather [hbm4b:s6+s3], $0x80, v4, vm0, $0xb8;
	[tilespmem:$0x10200] =	vst v63  }
0x2a: {  	_ = 	snop  }
0x2b: {  	[tilespmem:s10], [sflag:$0x1] =	stream.indirect_vreg.gather [hbm4b:s7+s3], $0x80, v4, vm0, $0xb8;
	[tilespmem:$0x10200] =	vst v63  }
0x2c: {  	_ = 	snop  }
0x2d: {  	[tilespmem:s11], [sflag:$0x1] =	stream.indirect_vreg.gather [hbm4b:s1+s3], $0x80, v3, vm0, $0xb8;
	[tilespmem:$0x10200] =	vst v63  }
0x2e: {  	_ = 	snop  }
0x2f: {  	[tilespmem:s13], [sflag:$0x1] =	stream.indirect_vreg.gather [hbm4b:s5+s3], $0x80, v3, vm0, $0xb8;
	[tilespmem:$0x10200] =	vst v63  }
0x30: {  	_ = 	snop  }
0x31: {  	[tilespmem:s15], [sflag:$0x1] =	stream.indirect_vreg.gather [hbm4b:s6+s3], $0x80, v3, vm0, $0xb8;
	[tilespmem:$0x10200] =	vst v63  }
0x32: {  	_ = 	snop  }
0x33: {  	[tilespmem:s16], [sflag:$0x1] =	stream.indirect_vreg.gather [hbm4b:s7+s3], $0x80, v3, vm0, $0xb8;
	[tilespmem:$0x10200] =	vst v63  }
0x34: {  	v3 =	vld [tilespmem:$0x10];
	_ =	sdelay $0x4  }
0x35: {  	v61 =	vshll.u32 v3, $0x3  }
0x36: {  	v3 =	vand.u32 $0x7, v3;
	v4 =	vand.u32 $0xFFFFFFC0, v61  }
0x37: {  	v3 =	vor.u32 v3, v4  }
0x38: {  	v4 =	vperm.xlane v3, v0;
	_ =	sdelay $0x1  }
0x39: {  	v4 =	vadd.s32 v1, v4;
	_ =	sdelay $0x4  }
0x3a: {  	[tilespmem:s0], [sflag:$0x2] =	stream.indirect_vreg.gather [hbm4b:s1+s3], $0x80, v4, vm0, $0xb8;
	[tilespmem:$0x10200] =	vst v63  }
0x3b: {  	v3 =	vperm.xlane v3, v2  }
0x3c: {  	[tilespmem:s17], [sflag:$0x2] =	stream.indirect_vreg.gather [hbm4b:s5+s3], $0x80, v4, vm0, $0xb8;
	[tilespmem:$0x10200] =	vst v63  }
0x3d: {  	v3 =	vadd.s32 v1, v3  }
0x3e: {  	[tilespmem:s18], [sflag:$0x2] =	stream.indirect_vreg.gather [hbm4b:s6+s3], $0x80, v4, vm0, $0xb8;
	[tilespmem:$0x10200] =	vst v63  }
0x3f: {  	_ = 	snop  }
0x40: {  	[tilespmem:s19], [sflag:$0x2] =	stream.indirect_vreg.gather [hbm4b:s7+s3], $0x80, v4, vm0, $0xb8;
	[tilespmem:$0x10200] =	vst v63  }
0x41: {  	_ = 	snop  }
0x42: {  	[tilespmem:s20], [sflag:$0x2] =	stream.indirect_vreg.gather [hbm4b:s1+s3], $0x80, v3, vm0, $0xb8;
	[tilespmem:$0x10200] =	vst v63  }
0x43: {  	_ = 	snop  }
0x44: {  	[tilespmem:s14], [sflag:$0x2] =	stream.indirect_vreg.gather [hbm4b:s5+s3], $0x80, v3, vm0, $0xb8;
	[tilespmem:$0x10200] =	vst v63  }
0x45: {  	s2 =	simm.s32 $0x7200  }
0x46: {  	[tilespmem:s2], [sflag:$0x2] =	stream.indirect_vreg.gather [hbm4b:s6+s3], $0x80, v3, vm0, $0xb8;
	[tilespmem:$0x10200] =	vst v63  }
0x47: {  	s4 =	simm.s32 $0x7A00  }
0x48: {  	[tilespmem:s4], [sflag:$0x2] =	stream.indirect_vreg.gather [hbm4b:s7+s3], $0x80, v3, vm0, $0xb8;
	[tilespmem:$0x10200] =	vst v63  }
0x49: {  	v3 =	vld [tilespmem:$0x20];
	_ =	sdelay $0x4  }
0x4a: {  	v62 =	vshll.u32 v3, $0x3  }
0x4b: {  	v3 =	vand.u32 $0x7, v3;
	v4 =	vand.u32 $0xFFFFFFC0, v62  }
0x4c: {  	v3 =	vor.u32 v3, v4  }
0x4d: {  	v4 =	vperm.xlane v3, v0;
	_ =	sdelay $0x1  }
0x4e: {  	v4 =	vadd.s32 v1, v4;
	_ =	sdelay $0x4  }
0x4f: {  	[tilespmem:s9], [sflag:$0x3] =	stream.indirect_vreg.gather [hbm4b:s1+s3], $0x80, v4, vm0, $0xb8;
	[tilespmem:$0x10200] =	vst v63  }
0x50: {  	s10 =	simm.s32 $0x8A00;
	v3 =	vperm.xlane v3, v2  }
0x51: {  	[tilespmem:s10], [sflag:$0x3] =	stream.indirect_vreg.gather [hbm4b:s5+s3], $0x80, v4, vm0, $0xb8;
	[tilespmem:$0x10200] =	vst v63  }
0x52: {  	s11 =	simm.s32 $0x9200;
	v3 =	vadd.s32 v1, v3  }
0x53: {  	[tilespmem:s11], [sflag:$0x3] =	stream.indirect_vreg.gather [hbm4b:s6+s3], $0x80, v4, vm0, $0xb8;
	[tilespmem:$0x10200] =	vst v63  }
0x54: {  	s13 =	simm.s32 $0x9A00  }
0x55: {  	[tilespmem:s13], [sflag:$0x3] =	stream.indirect_vreg.gather [hbm4b:s7+s3], $0x80, v4, vm0, $0xb8;
	[tilespmem:$0x10200] =	vst v63  }
0x56: {  	s14 =	simm.s32 $0xA200  }
0x57: {  	[tilespmem:s14], [sflag:$0x3] =	stream.indirect_vreg.gather [hbm4b:s1+s3], $0x80, v3, vm0, $0xb8;
	[tilespmem:$0x10200] =	vst v63  }
0x58: {  	s15 =	simm.s32 $0xAA00  }
0x59: {  	[tilespmem:s15], [sflag:$0x3] =	stream.indirect_vreg.gather [hbm4b:s5+s3], $0x80, v3, vm0, $0xb8;
	[tilespmem:$0x10200] =	vst v63  }
0x5a: {  	s16 =	simm.s32 $0xB200  }
0x5b: {  	[tilespmem:s16], [sflag:$0x3] =	stream.indirect_vreg.gather [hbm4b:s6+s3], $0x80, v3, vm0, $0xb8;
	[tilespmem:$0x10200] =	vst v63  }
0x5c: {  	s17 =	simm.s32 $0xBA00  }
0x5d: {  	[tilespmem:s17], [sflag:$0x3] =	stream.indirect_vreg.gather [hbm4b:s7+s3], $0x80, v3, vm0, $0xb8;
	[tilespmem:$0x10200] =	vst v63  }
0x5e: {  	v3 =	vld [tilespmem:$0x30];
	_ =	sdelay $0x4  }
0x5f: {  	v63 =	vshll.u32 v3, $0x3  }
0x60: {  	v3 =	vand.u32 $0x7, v3;
	v4 =	vand.u32 $0xFFFFFFC0, v63  }
0x61: {  	v3 =	vor.u32 v3, v4  }
0x62: {  	v4 =	vperm.xlane v3, v0;
	_ =	sdelay $0x1  }
0x63: {  	v4 =	vadd.s32 v1, v4;
	_ =	sdelay $0x4  }
0x64: {  	[tilespmem:s12], [sflag:$0x4] =	stream.indirect_vreg.gather [hbm4b:s1+s3], $0x80, v4, vm0, $0xb8;
	[tilespmem:$0x10200] =	vst v63  }
0x65: {  	s18 =	simm.s32 $0xCA00;
	v3 =	vperm.xlane v3, v2  }
0x66: {  	[tilespmem:s18], [sflag:$0x4] =	stream.indirect_vreg.gather [hbm4b:s5+s3], $0x80, v4, vm0, $0xb8;
	[tilespmem:$0x10200] =	vst v63  }
0x67: {  	s19 =	simm.s32 $0xD200;
	v3 =	vadd.s32 v1, v3  }
0x68: {  	[tilespmem:s19], [sflag:$0x4] =	stream.indirect_vreg.gather [hbm4b:s6+s3], $0x80, v4, vm0, $0xb8;
	[tilespmem:$0x10200] =	vst v63  }
0x69: {  	s21 =	simm.s32 $0xE200;
	s20 =	simm.s32 $0xDA00  }
0x6a: {  	[tilespmem:s20], [sflag:$0x4] =	stream.indirect_vreg.gather [hbm4b:s7+s3], $0x80, v4, vm0, $0xb8;
	[tilespmem:$0x10200] =	vst v63  }
0x6b: {  	s23 =	simm.s32 $0xEA00;
	s2 =	simm.s32 $0x70;
	s11 =	simm.s32 $0xF200  }
0x6c: {  	[tilespmem:s21], [sflag:$0x4] =	stream.indirect_vreg.gather [hbm4b:s1+s3], $0x80, v3, vm0, $0xb8;
	[tilespmem:$0x10200] =	vst v63  }
0x6d: {  	s13 =	simm.s32 $0x0;
	s14 =	simm.s32 $0x6A00;
	s15 =	simm.s32 $0xFA00  }
0x6e: {  	[tilespmem:s23], [sflag:$0x4] =	stream.indirect_vreg.gather [hbm4b:s5+s3], $0x80, v3, vm0, $0xb8;
	[tilespmem:$0x10200] =	vst v63  }
0x6f: {  	s16 =	simm.s32 $0x3200;
	s17 =	simm.s32 $0x3A00;
	s18 =	simm.s32 $0x4A00  }
0x70: {  	[tilespmem:s11], [sflag:$0x4] =	stream.indirect_vreg.gather [hbm4b:s6+s3], $0x80, v3, vm0, $0xb8;
	[tilespmem:$0x10200] =	vst v63  }
0x71: {  	s19 =	simm.s32 $0x5200;
	s20 =	simm.s32 $0x5A00;
	s21 =	simm.s32 $0x6200  }
0x72: {  	[tilespmem:s15], [sflag:$0x4] =	stream.indirect_vreg.gather [hbm4b:s7+s3], $0x80, v3, vm0, $0xb8;
	[tilespmem:$0x10200] =	vst v63  }
.LBB2_2:
0x73: {  	_ =	swait.ge [sflag:s22], $0x4000  }
0x74: {  	s4 =	rddreg [dreg:$0x4];
	[sflag:s22] =	ssyncset.done $0x0  }
0x75: {  	s0 =	simm.s32 $0x200;
	[sflag:s22] =	ssyncadd.s32 $0xFFFFC000;
	s4 =	sadd.s32 s13, s4  }
0x76: {  	[hbm4b:s4+s3] =	stream.linear.scatter [tilespmem:s0], [sflag:$0x5], $0x4000, $0x38;
	[tilespmem:$0x10200] =	vst v63  }
0x77: {  	_ =	swait.ge [sflag:s24], $0x4000  }
0x78: {  	[sflag:s24] =	ssyncset.done $0x0  }
0x79: {  	[sflag:s24] =	ssyncadd.s32 $0xFFFFC000  }
0x7a: {  	v3 =	vld [tilespmem:s2+$0xFFFFFFD0];
	_ =	sdelay $0x4  }
0x7b: {  	v4 =	vshll.u32 v3, $0x3  }
0x7c: {  	v3 =	vand.u32 $0x7, v3;
	v4 =	vand.u32 $0xFFFFFFC0, v4  }
0x7d: {  	v3 =	vor.u32 v3, v4  }
0x7e: {  	v4 =	vperm.xlane v3, v0;
	_ =	sdelay $0x1  }
0x7f: {  	v4 =	vadd.s32 v1, v4;
	_ =	sdelay $0x4  }
0x80: {  	[tilespmem:s0], [sflag:$0x1] =	stream.indirect_vreg.gather [hbm4b:s1+s3], $0x80, v4, vm0, $0xb8;
	[tilespmem:$0x10200] =	vst v63  }
0x81: {  	v3 =	vperm.xlane v3, v2  }
0x82: {  	[tilespmem:s8], [sflag:$0x1] =	stream.indirect_vreg.gather [hbm4b:s5+s3], $0x80, v4, vm0, $0xb8;
	[tilespmem:$0x10200] =	vst v63  }
0x83: {  	s10 =	simm.s32 $0x1200;
	v3 =	vadd.s32 v1, v3  }
0x84: {  	[tilespmem:s10], [sflag:$0x1] =	stream.indirect_vreg.gather [hbm4b:s6+s3], $0x80, v4, vm0, $0xb8;
	[tilespmem:$0x10200] =	vst v63  }
0x85: {  	s8 =	simm.s32 $0x1A00  }
0x86: {  	[tilespmem:s8], [sflag:$0x1] =	stream.indirect_vreg.gather [hbm4b:s7+s3], $0x80, v4, vm0, $0xb8;
	[tilespmem:$0x10200] =	vst v63  }
0x87: {  	s9 =	simm.s32 $0x2200  }
0x88: {  	[tilespmem:s9], [sflag:$0x1] =	stream.indirect_vreg.gather [hbm4b:s1+s3], $0x80, v3, vm0, $0xb8;
	[tilespmem:$0x10200] =	vst v63  }
0x89: {  	s10 =	simm.s32 $0x2A00  }
0x8a: {  	[tilespmem:s10], [sflag:$0x1] =	stream.indirect_vreg.gather [hbm4b:s5+s3], $0x80, v3, vm0, $0xb8;
	[tilespmem:$0x10200] =	vst v63  }
0x8b: {  	_ = 	snop  }
0x8c: {  	[tilespmem:s16], [sflag:$0x1] =	stream.indirect_vreg.gather [hbm4b:s6+s3], $0x80, v3, vm0, $0xb8;
	[tilespmem:$0x10200] =	vst v63  }
0x8d: {  	_ = 	snop  }
0x8e: {  	[tilespmem:s17], [sflag:$0x1] =	stream.indirect_vreg.gather [hbm4b:s7+s3], $0x80, v3, vm0, $0xb8;
	[tilespmem:$0x10200] =	vst v63  }
0x8f: {  	_ =	swait.ge [sflag:s25], $0x4000  }
0x90: {  	[sflag:s25] =	ssyncset.done $0x0  }
0x91: {  	s0 =	sadd.s32 $0x800, s4;
	s9 =	simm.s32 $0x4200;
	[sflag:s25] =	ssyncadd.s32 $0xFFFFC000  }
0x92: {  	[hbm4b:s0+s3] =	stream.linear.scatter [tilespmem:s9], [sflag:$0x6], $0x4000, $0x38;
	[tilespmem:$0x10200] =	vst v63  }
0x93: {  	_ =	swait.ge [sflag:s26], $0x4000  }
0x94: {  	[sflag:s26] =	ssyncset.done $0x0  }
0x95: {  	[sflag:s26] =	ssyncadd.s32 $0xFFFFC000  }
0x96: {  	v3 =	vld [tilespmem:s2+$0xFFFFFFE0];
	_ =	sdelay $0x4  }
0x97: {  	v61 =	vshll.u32 v3, $0x3  }
0x98: {  	v3 =	vand.u32 $0x7, v3;
	v4 =	vand.u32 $0xFFFFFFC0, v61  }
0x99: {  	v3 =	vor.u32 v3, v4  }
0x9a: {  	v4 =	vperm.xlane v3, v0;
	_ =	sdelay $0x1  }
0x9b: {  	v4 =	vadd.s32 v1, v4;
	_ =	sdelay $0x4  }
0x9c: {  	[tilespmem:s9], [sflag:$0x2] =	stream.indirect_vreg.gather [hbm4b:s1+s3], $0x80, v4, vm0, $0xb8;
	[tilespmem:$0x10200] =	vst v63  }
0x9d: {  	v3 =	vperm.xlane v3, v2  }
0x9e: {  	[tilespmem:s18], [sflag:$0x2] =	stream.indirect_vreg.gather [hbm4b:s5+s3], $0x80, v4, vm0, $0xb8;
	[tilespmem:$0x10200] =	vst v63  }
0x9f: {  	v3 =	vadd.s32 v1, v3  }
0xa0: {  	[tilespmem:s19], [sflag:$0x2] =	stream.indirect_vreg.gather [hbm4b:s6+s3], $0x80, v4, vm0, $0xb8;
	[tilespmem:$0x10200] =	vst v63  }
0xa1: {  	_ = 	snop  }
0xa2: {  	[tilespmem:s20], [sflag:$0x2] =	stream.indirect_vreg.gather [hbm4b:s7+s3], $0x80, v4, vm0, $0xb8;
	[tilespmem:$0x10200] =	vst v63  }
0xa3: {  	_ = 	snop  }
0xa4: {  	[tilespmem:s21], [sflag:$0x2] =	stream.indirect_vreg.gather [hbm4b:s1+s3], $0x80, v3, vm0, $0xb8;
	[tilespmem:$0x10200] =	vst v63  }
0xa5: {  	_ = 	snop  }
0xa6: {  	[tilespmem:s14], [sflag:$0x2] =	stream.indirect_vreg.gather [hbm4b:s5+s3], $0x80, v3, vm0, $0xb8;
	[tilespmem:$0x10200] =	vst v63  }
0xa7: {  	s9 =	simm.s32 $0x7200  }
0xa8: {  	[tilespmem:s9], [sflag:$0x2] =	stream.indirect_vreg.gather [hbm4b:s6+s3], $0x80, v3, vm0, $0xb8;
	[tilespmem:$0x10200] =	vst v63  }
0xa9: {  	s10 =	simm.s32 $0x7A00  }
0xaa: {  	[tilespmem:s10], [sflag:$0x2] =	stream.indirect_vreg.gather [hbm4b:s7+s3], $0x80, v3, vm0, $0xb8;
	[tilespmem:$0x10200] =	vst v63  }
0xab: {  	_ =	swait.ge [sflag:s28], $0x4000  }
0xac: {  	[sflag:s28] =	ssyncset.done $0x0  }
0xad: {  	s9 =	sadd.s32 $0x1000, s4;
	s10 =	simm.s32 $0x8200;
	[sflag:s28] =	ssyncadd.s32 $0xFFFFC000  }
0xae: {  	[hbm4b:s9+s3] =	stream.linear.scatter [tilespmem:s10], [sflag:$0x7], $0x4000, $0x38;
	[tilespmem:$0x10200] =	vst v63  }
0xaf: {  	_ =	swait.ge [sflag:s29], $0x4000  }
0xb0: {  	[sflag:s29] =	ssyncset.done $0x0  }
0xb1: {  	[sflag:s29] =	ssyncadd.s32 $0xFFFFC000  }
0xb2: {  	v3 =	vld [tilespmem:s2+$0xFFFFFFF0];
	_ =	sdelay $0x4  }
0xb3: {  	v62 =	vshll.u32 v3, $0x3  }
0xb4: {  	v3 =	vand.u32 $0x7, v3;
	v4 =	vand.u32 $0xFFFFFFC0, v62  }
0xb5: {  	v3 =	vor.u32 v3, v4  }
0xb6: {  	v4 =	vperm.xlane v3, v0;
	_ =	sdelay $0x1  }
0xb7: {  	v4 =	vadd.s32 v1, v4;
	_ =	sdelay $0x4  }
0xb8: {  	[tilespmem:s10], [sflag:$0x3] =	stream.indirect_vreg.gather [hbm4b:s1+s3], $0x80, v4, vm0, $0xb8;
	[tilespmem:$0x10200] =	vst v63  }
0xb9: {  	v3 =	vperm.xlane v3, v2;
	s10 =	simm.s32 $0x8A00  }
0xba: {  	[tilespmem:s10], [sflag:$0x3] =	stream.indirect_vreg.gather [hbm4b:s5+s3], $0x80, v4, vm0, $0xb8;
	[tilespmem:$0x10200] =	vst v63  }
0xbb: {  	v3 =	vadd.s32 v1, v3;
	s10 =	simm.s32 $0x9200  }
0xbc: {  	[tilespmem:s10], [sflag:$0x3] =	stream.indirect_vreg.gather [hbm4b:s6+s3], $0x80, v4, vm0, $0xb8;
	[tilespmem:$0x10200] =	vst v63  }
0xbd: {  	s10 =	simm.s32 $0x9A00  }
0xbe: {  	[tilespmem:s10], [sflag:$0x3] =	stream.indirect_vreg.gather [hbm4b:s7+s3], $0x80, v4, vm0, $0xb8;
	[tilespmem:$0x10200] =	vst v63  }
0xbf: {  	s10 =	simm.s32 $0xA200  }
0xc0: {  	[tilespmem:s10], [sflag:$0x3] =	stream.indirect_vreg.gather [hbm4b:s1+s3], $0x80, v3, vm0, $0xb8;
	[tilespmem:$0x10200] =	vst v63  }
0xc1: {  	s10 =	simm.s32 $0xAA00  }
0xc2: {  	[tilespmem:s10], [sflag:$0x3] =	stream.indirect_vreg.gather [hbm4b:s5+s3], $0x80, v3, vm0, $0xb8;
	[tilespmem:$0x10200] =	vst v63  }
0xc3: {  	s10 =	simm.s32 $0xB200  }
0xc4: {  	[tilespmem:s10], [sflag:$0x3] =	stream.indirect_vreg.gather [hbm4b:s6+s3], $0x80, v3, vm0, $0xb8;
	[tilespmem:$0x10200] =	vst v63  }
0xc5: {  	s10 =	simm.s32 $0xBA00  }
0xc6: {  	[tilespmem:s10], [sflag:$0x3] =	stream.indirect_vreg.gather [hbm4b:s7+s3], $0x80, v3, vm0, $0xb8;
	[tilespmem:$0x10200] =	vst v63  }
0xc7: {  	_ =	swait.ge [sflag:s30], $0x4000  }
0xc8: {  	[sflag:s30] =	ssyncset.done $0x0  }
0xc9: {  	s4 =	sadd.s32 $0x1800, s4;
	[sflag:s30] =	ssyncadd.s32 $0xFFFFC000  }
0xca: {  	[hbm4b:s4+s3] =	stream.linear.scatter [tilespmem:s12], [sflag:$0x8], $0x4000, $0x38;
	[tilespmem:$0x10200] =	vst v63  }
0xcb: {  	_ =	swait.ge [sflag:s31], $0x4000  }
0xcc: {  	[sflag:s31] =	ssyncset.done $0x0  }
0xcd: {  	[sflag:s31] =	ssyncadd.s32 $0xFFFFC000  }
0xce: {  	v3 =	vld [tilespmem:s2+$0x0];
	_ =	sdelay $0x4  }
0xcf: {  	v63 =	vshll.u32 v3, $0x3  }
0xd0: {  	v3 =	vand.u32 $0x7, v3;
	v4 =	vand.u32 $0xFFFFFFC0, v63  }
0xd1: {  	v3 =	vor.u32 v3, v4  }
0xd2: {  	v4 =	vperm.xlane v3, v0;
	_ =	sdelay $0x1  }
0xd3: {  	v4 =	vadd.s32 v1, v4;
	_ =	sdelay $0x4  }
0xd4: {  	[tilespmem:s12], [sflag:$0x4] =	stream.indirect_vreg.gather [hbm4b:s1+s3], $0x80, v4, vm0, $0xb8;
	[tilespmem:$0x10200] =	vst v63  }
0xd5: {  	s10 =	simm.s32 $0xCA00;
	v3 =	vperm.xlane v3, v2  }
0xd6: {  	[tilespmem:s10], [sflag:$0x4] =	stream.indirect_vreg.gather [hbm4b:s5+s3], $0x80, v4, vm0, $0xb8;
	[tilespmem:$0x10200] =	vst v63  }
0xd7: {  	v3 =	vadd.s32 v1, v3;
	s10 =	simm.s32 $0xD200  }
0xd8: {  	[tilespmem:s10], [sflag:$0x4] =	stream.indirect_vreg.gather [hbm4b:s6+s3], $0x80, v4, vm0, $0xb8;
	[tilespmem:$0x10200] =	vst v63  }
0xd9: {  	s10 =	simm.s32 $0xDA00  }
0xda: {  	[tilespmem:s10], [sflag:$0x4] =	stream.indirect_vreg.gather [hbm4b:s7+s3], $0x80, v4, vm0, $0xb8;
	[tilespmem:$0x10200] =	vst v63  }
0xdb: {  	s10 =	simm.s32 $0xE200  }
0xdc: {  	[tilespmem:s10], [sflag:$0x4] =	stream.indirect_vreg.gather [hbm4b:s1+s3], $0x80, v3, vm0, $0xb8;
	[tilespmem:$0x10200] =	vst v63  }
0xdd: {  	p0 =	sne.s32 s13, $0xC000;
	s10 =	simm.s32 $0xEA00  }
0xde: {  	[tilespmem:s10], [sflag:$0x4] =	stream.indirect_vreg.gather [hbm4b:s5+s3], $0x80, v3, vm0, $0xb8;
	[tilespmem:$0x10200] =	vst v63  }
.Ltmp0:
0xdf: {  	_ = 	snop;
	(pc) =	sbr.rel @p0 .LBB2_2-.Ltmp0, $4  }
0xe0: {  	s23 =	simm.s32 $0x200;
	s13 =	sadd.s32 $0x2000, s13;
	s8 =	simm.s32 $0xA00  }
0xe1: {  	[tilespmem:s11], [sflag:$0x4] =	stream.indirect_vreg.gather [hbm4b:s6+s3], $0x80, v3, vm0, $0xb8;
	[tilespmem:$0x10200] =	vst v63  }
0xe2: {  	s0 =	simm.s32 $0x4200;
	s9 =	simm.s32 $0x8200;
	s2 =	sadd.s32 $0x40, s2  }
0xe3: {  	[tilespmem:s15], [sflag:$0x4] =	stream.indirect_vreg.gather [hbm4b:s7+s3], $0x80, v3, vm0, $0xb8;
	[tilespmem:$0x10200] =	vst v63  }
0xe4: {  	_ =	swait.ge [sflag:s22], $0x4000  }
0xe5: {  	[sflag:s22] =	ssyncset.done $0x0  }
0xe6: {  	s2 =	rddreg [dreg:$0x6];
	[sflag:s22] =	ssyncadd.s32 $0xFFFFC000  }
0xe7: {  	[hbm4b:s2+s3] =	stream.linear.scatter [tilespmem:s23], [sflag:$0x5], $0x4000, $0x38;
	[tilespmem:$0x10200] =	vst v63  }
0xe8: {  	_ =	swait.ge [sflag:s25], $0x4000  }
0xe9: {  	[sflag:s25] =	ssyncset.done $0x0  }
0xea: {  	s19 =	rddreg [dreg:$0x7];
	[sflag:s25] =	ssyncadd.s32 $0xFFFFC000  }
0xeb: {  	[hbm4b:s19+s3] =	stream.linear.scatter [tilespmem:s0], [sflag:$0x6], $0x4000, $0x38;
	[tilespmem:$0x10200] =	vst v63  }
0xec: {  	_ =	swait.ge [sflag:s28], $0x4000  }
0xed: {  	[sflag:s28] =	ssyncset.done $0x0  }
0xee: {  	s20 =	rddreg [dreg:$0x8];
	[sflag:s28] =	ssyncadd.s32 $0xFFFFC000  }
0xef: {  	[hbm4b:s20+s3] =	stream.linear.scatter [tilespmem:s9], [sflag:$0x7], $0x4000, $0x38;
	[tilespmem:$0x10200] =	vst v63  }
0xf0: {  	_ =	swait.ge [sflag:s30], $0x4000  }
0xf1: {  	[sflag:s30] =	ssyncset.done $0x0  }
0xf2: {  	s21 =	rddreg [dreg:$0x9];
	[sflag:s30] =	ssyncadd.s32 $0xFFFFC000  }
0xf3: {  	[hbm4b:s21+s3] =	stream.linear.scatter [tilespmem:s12], [sflag:$0x8], $0x4000, $0x38;
	[tilespmem:$0x10200] =	vst v63  }
0xf4: {  	_ =	swait.ge [sflag:s24], $0x4000  }
0xf5: {  	[sflag:s24] =	ssyncset.done $0x0  }
0xf6: {  	[sflag:s24] =	ssyncadd.s32 $0xFFFFC000  }
0xf7: {  	_ =	swait.ge [sflag:s26], $0x4000  }
0xf8: {  	[sflag:s26] =	ssyncset.done $0x0  }
0xf9: {  	[sflag:s26] =	ssyncadd.s32 $0xFFFFC000  }
0xfa: {  	_ =	swait.ge [sflag:s29], $0x4000  }
0xfb: {  	[sflag:s29] =	ssyncset.done $0x0  }
0xfc: {  	[sflag:s29] =	ssyncadd.s32 $0xFFFFC000  }
0xfd: {  	_ =	swait.ge [sflag:s31], $0x4000  }
0xfe: {  	s4 =	rddreg [dreg:$0xb]  }
0xff: {  	s23 =	rddreg [dreg:$0xa];
	s4 =	sadd.s32 $0x1, s4  }
0x100: {  	p0 =	sne.s32 s4, s23  }
.Ltmp1:
0x101: {  	s10 =	simm.s32 $0x1A00;
	(pc) =	sbr.rel @p0 .LBB2_1-.Ltmp1, $4  }
0x102: {  	s11 =	simm.s32 $0x2200;
	s13 =	simm.s32 $0x2A00;
	s15 =	simm.s32 $0x3200  }
0x103: {  	s16 =	simm.s32 $0x3A00;
	s17 =	simm.s32 $0x4A00;
	s18 =	simm.s32 $0x5200  }
0x104: {  	s14 =	simm.s32 $0x6A00;
	s19 =	simm.s32 $0x5A00;
	[sflag:s31] =	ssyncset.done $0x0  }
0x105: {  	s20 =	simm.s32 $0x6200;
	[sflag:s31] =	ssyncadd.s32 $0xFFFFC000;
	s23 =	simm.s32 $0x1200  }
0x106: {  	_ =	sfence.sel $0x180000  }
0x107: {  	[bflag:$0x0] =	sbarrier.arrive $0xFFFF  }
0x108: {  	_ =	strace $0x90000047  }
0x109: {  	s0 =	stileid.u32;
	[bflag:$0x2] =	sbarrier.arrive $0xFFFF  }
0x10a: {  	p0 =	sne.s32 s0, $0x0;
	s0 =	rddreg [dreg:$0x3]  }
0x10b: {  	s0 =	sadd.s32 @!p0 $0x100000, s0  }
0x10c: {  	[sflag:s0] =	ssyncadd.tile.s32 @!p0 $0x1;
	_ =	shalt  }
.Lfunc_end2:
_tile_overlayer_lowered:
.L_overlay_start_2:
0x10d: {  	(tag) =	ssettag $0x2  }
0x10e: {  	s0 =	rddreg [dreg:$0x0];
	s2 =	stileid.u32  }
0x10f: {  	s1 =	rddreg [dreg:$0x1];
	p0 =	sne.s32 s2, $0x0  }
0x110: {  	s3 =	rddreg [dreg:$0x2];
	[bflag:$0x3] =	sbarrier.arrive $0xFFFF;
	s2 =	simm.s32 @!p0 $0x1C09  }
0x111: {  	[timem:s3], [sflag:s2] =	dma.local @!p0 [hbm:s0], s1  }
0x112: {  	s0 =	simm.s32 @!p0 $0x9  }
0x113: {  	_ =	swait.ge @!p0 [sflag:s0], s1  }
0x114: {  	s1 =	ssub.s32 @!p0 $0x0, s1;
	[sflag:s0] =	ssyncset.done @!p0 $0x0  }
0x115: {  	[sflag:s0] =	ssyncadd.s32 @!p0 s1  }
0x116: {  	[bflag:$0x3] =	sbarrier.arrive $0xFFFF  }
0x117: {  	_ =	shalt  }

</sc_bundles>
